<compile_context>
chip_gen: v7x
topology: tpu7x:2x2x1
jax: 0.10.2.dev20260603
libtpu: 0.0.44.dev20260713+nightly
codegen_flags: <defaults>
</compile_context>

<pallas_src>
import functools

import jax
import jax.numpy as jnp
from jax import lax
from jax.experimental import pallas as pl
from jax.experimental.pallas import tpu as pltpu
from jax.experimental.pallas import tpu_sc as plsc

_CAPACITY = 0.125
_SC_SELECT = True


def _matvec_only_body(BLK, h_ref, w_ref, scores_ref):
    scores_ref[...] = jax.lax.dot_general(
        w_ref[...], h_ref[0],
        (((1,), (1,)), ((), ())),
        preferred_element_type=jnp.float32,
    )


def _sc_matvec_make(R_total, R_tc, D, CH=64):
    R_sc = R_total - R_tc
    info = plsc.get_sparse_core_info()
    NC = info.num_cores
    NW = NC * info.num_subcores
    rpw = R_sc // NW
    nch = rpw // CH
    mesh = plsc.VectorSubcoreMesh(core_axis_name="c", subcore_axis_name="s")

    @functools.partial(
        pl.kernel, mesh=mesh,
        out_type=jax.ShapeDtypeStruct((R_sc,), jnp.float32),
        scratch_types=[
            pltpu.VMEM((CH, D), jnp.float32),
            pltpu.VMEM((D,), jnp.float32),
            pltpu.VMEM((CH,), jnp.float32),
        ],
    )
    def k(h_hbm, w_hbm, out_hbm, buf, w_v, s_v):
        wid = lax.axis_index("s") * NC + lax.axis_index("c")
        base = R_tc + wid * rpw
        pltpu.sync_copy(w_hbm, w_v)

        def chunk(ci, _):
            pltpu.sync_copy(h_hbm.at[pl.ds(base + ci * CH, CH)], buf)

            def rowblk(rb, _):
                def jstep(j, accs):
                    wv = w_v[pl.ds(j * 16, 16)]
                    return tuple(
                        accs[r] + buf[rb * 16 + r, pl.ds(j * 16, 16)] * wv
                        for r in range(16))

                accs = lax.fori_loop(
                    0, D // 16, jstep,
                    tuple(jnp.zeros((16,), jnp.float32) for _ in range(16)))
                lanes = lax.iota(jnp.int32, 16)
                res = jnp.zeros((16,), jnp.float32)
                for r in range(16):
                    a = accs[r]
                    for sh in (8, 4, 2, 1):
                        a = a + a[lanes ^ sh]
                    res = jnp.where(lanes == r, a, res)
                s_v[pl.ds(rb * 16, 16)] = res
                return 0

            lax.fori_loop(0, CH // 16, rowblk, 0)
            pltpu.sync_copy(s_v, out_hbm.at[pl.ds(wid * rpw + ci * CH, CH)])
            return 0

        lax.fori_loop(0, nch, chunk, 0)

    return k


def _sc_select_make(B, S, k):
    info = plsc.get_sparse_core_info()
    NC = info.num_cores
    mesh = plsc.VectorSubcoreMesh(core_axis_name="c", subcore_axis_name="s")
    NV = S // 16
    MIN32 = jnp.int32(-(2 ** 31))

    @functools.partial(
        pl.kernel, mesh=mesh,
        out_type=jax.ShapeDtypeStruct((B, S), jnp.float32),
        scratch_types=[
            pltpu.VMEM((S,), jnp.float32),
            pltpu.VMEM((S,), jnp.int32),
        ],
    )
    def sel(scores_hbm, mask_hbm, s_v, key_v):
        wid = lax.axis_index("s") * NC + lax.axis_index("c")

        @pl.when(wid < B)
        def _():
            pltpu.sync_copy(scores_hbm.at[wid], key_v)
            lanes = lax.iota(jnp.int32, 16)

            def keystep(i, _):
                bb = key_v[pl.ds(i * 16, 16)]
                mm = lax.shift_right_arithmetic(bb, 31)
                key_v[pl.ds(i * 16, 16)] = bb ^ (mm & jnp.int32(0x7FFFFFFF))
                return 0

            lax.fori_loop(0, NV, keystep, 0)
            kvec = jnp.full((16,), k, jnp.int32)

            def bit_step(i, cur_u):
                bit = jax.lax.shift_left(jnp.int32(1), 31 - i)
                trial_u = cur_u | bit
                trial_s = trial_u ^ MIN32

                def cstep(j, accs):
                    return tuple(
                        accs[u] + jnp.where(
                            key_v[pl.ds((j * 8 + u) * 16, 16)] >= trial_s,
                            1, 0)
                        for u in range(8))

                accs = lax.fori_loop(
                    0, NV // 8, cstep,
                    tuple(jnp.zeros((16,), jnp.int32) for _ in range(8)))
                acc = sum(accs[1:], accs[0])
                for sh in (8, 4, 2, 1):
                    acc = acc + acc[lanes ^ sh]
                return jnp.where(acc >= kvec, trial_u, cur_u)

            cur_u = lax.fori_loop(0, 32, bit_step,
                                  jnp.zeros((16,), jnp.int32))
            T = cur_u ^ MIN32

            def gstep(j, acc):
                kv = key_v[pl.ds(j * 16, 16)]
                return acc + jnp.where(kv > T, 1, 0)

            accg = lax.fori_loop(0, NV, gstep, jnp.zeros((16,), jnp.int32))
            for sh in (8, 4, 2, 1):
                accg = accg + accg[lanes ^ sh]
            need = kvec - accg
            last = jnp.full((16,), 15, jnp.int32)

            def mstep(j, carry):
                kv = key_v[pl.ds(j * 16, 16)]
                eq = kv == T
                eqi = jnp.where(eq, 1, 0)
                p = eqi
                for sh in (1, 2, 4, 8):
                    p = p + jnp.where(lanes >= sh, p[(lanes - sh) & 15], 0)
                excl = p - eqi + carry
                keep = (kv > T) | (eq & (excl < need))
                s_v[pl.ds(j * 16, 16)] = jnp.where(keep, 1.0, 0.0)
                return carry + p[last]

            lax.fori_loop(0, NV, mstep, jnp.zeros((16,), jnp.int32))
            pltpu.sync_copy(s_v, mask_hbm.at[wid])

    return sel


def _select(s, k):
    B, S = s.shape
    b = jax.lax.bitcast_convert_type(s, jnp.int32)
    m = jax.lax.shift_right_arithmetic(b, 31)
    key = b ^ (m & jnp.int32(0x7FFFFFFF))
    MIN32 = jnp.int32(-(2 ** 31))

    def bit_step(i, cur_u):
        bit = jax.lax.shift_left(jnp.int32(1), 31 - i)
        trial_u = cur_u | bit
        trial_s = trial_u ^ MIN32
        cnt = jnp.sum((key >= trial_s).astype(jnp.int32), axis=1,
                      keepdims=True)
        return jnp.where(cnt >= k, trial_u, cur_u)

    cur_u = jax.lax.fori_loop(0, 32, bit_step,
                              jnp.zeros((B, 1), jnp.int32))
    T = cur_u ^ MIN32
    gt = key > T
    eq = key == T
    cnt_gt = jnp.sum(gt.astype(jnp.int32), axis=1, keepdims=True)
    need = k - cnt_gt
    idx = jax.lax.broadcasted_iota(jnp.int32, (B, S), 1)

    def idx_step(i, cur):
        trial = cur | jax.lax.shift_left(jnp.int32(1), 13 - i)
        cnt = jnp.sum((eq & (idx < trial)).astype(jnp.int32), axis=1,
                      keepdims=True)
        return jnp.where(cnt <= need, trial, cur)

    tbound = jax.lax.fori_loop(0, 14, idx_step,
                               jnp.zeros((B, 1), jnp.int32))
    return (gt | (eq & (idx < tbound))).astype(jnp.float32)


def _fused_body(k, B, G, BLK, h_ref, w_ref, scores_ref, mask_ref, acc_ref):
    bb = pl.program_id(0)
    j = pl.program_id(1)
    s = jax.lax.dot_general(
        w_ref[...], h_ref[0],
        (((1,), (1,)), ((), ())),
        preferred_element_type=jnp.float32,
    )
    scores_ref[...] = s
    for r in range(B):
        @pl.when(bb == r)
        def _():
            acc_ref[r:r + 1, pl.ds(j * BLK, BLK)] = s

    @pl.when((bb == B - 1) & (j == G - 1))
    def _():
        mask_ref[...] = _select(acc_ref[...], k)


def kernel(hidden_states, W):
    B, S, D = hidden_states.shape
    k = int(_CAPACITY * S)
    BLK = 2048
    G = S // BLK
    if _SC_SELECT:
        scores = pl.pallas_call(
            functools.partial(_matvec_only_body, BLK),
            grid=(B, G),
            in_specs=[
                pl.BlockSpec((1, BLK, D), lambda b, j: (b, j, 0)),
                pl.BlockSpec((1, D), lambda b, j: (0, 0)),
            ],
            out_specs=pl.BlockSpec((1, BLK), lambda b, j: (0, b * (S // BLK) + j)),
            out_shape=jax.ShapeDtypeStruct((1, B * S), jnp.float32),
        )(hidden_states, W).reshape(B, S)
        if k >= S:
            return (jnp.ones_like(scores), scores)
        mask = _sc_select_make(B, S, k)(
            jax.lax.bitcast_convert_type(scores, jnp.int32))
        return (mask, scores)
    scores, mask = pl.pallas_call(
        functools.partial(_fused_body, k, B, G, BLK),
        grid=(B, G),
        in_specs=[
            pl.BlockSpec((1, BLK, D), lambda b, j: (b, j, 0)),
            pl.BlockSpec((1, D), lambda b, j: (0, 0)),
        ],
        out_specs=[
            pl.BlockSpec((1, BLK), lambda b, j: (0, b * (S // BLK) + j)),
            pl.BlockSpec((B, S), lambda b, j: (0, 0)),
        ],
        out_shape=[
            jax.ShapeDtypeStruct((1, B * S), jnp.float32),
            jax.ShapeDtypeStruct((B, S), jnp.float32),
        ],
        scratch_shapes=[pltpu.VMEM((B, S), jnp.float32)],
    )(hidden_states, W)
    scores = scores.reshape(B, S)
    if k >= S:
        return (jnp.ones_like(scores), scores)
    return (mask, scores)

# --- scband reference (transcript-rebuilt; emitter-appended) ---
"""Pipeline reference for scband-mo-drouter-48507360641336 (READ-ONLY COPY).

The authoritative reference and input builder live on the scoring server;
editing this copy changes nothing except your own understanding.
"""

import jax, jax.numpy as jnp
import numpy as np

CAPACITY = 0.125


def setup_inputs(seed: int = 0) -> dict:
    key = jax.random.key(seed)
    k1, k2 = jax.random.split(key)
    hidden_states = jax.random.normal(k1, (4, 8192, 1024), dtype=jnp.float32)
    # nn.Linear(hidden_size, 1, bias=False) weight: shape [1, hidden_size]
    W = jax.random.normal(k2, (1, 1024), dtype=jnp.float32) * (1.0 / np.sqrt(1024.0))
    return {"hidden_states": hidden_states, "W": W}


def reference(hidden_states, W):
    # scores = gate(hidden_states).squeeze(-1)
    scores = jnp.einsum('bsd,od->bso', hidden_states, W)[..., 0]  # [B, S]
    B, S = scores.shape
    k = int(CAPACITY * S)
    if k >= S:
        mask = jnp.ones_like(scores)
    else:
        _, top_indices = jax.lax.top_k(scores, k)  # [B, k]
        mask = jnp.zeros_like(scores).at[jnp.arange(B)[:, None], top_indices].set(1.0)
    return (mask, scores)

if __name__ == "__main__":
    import jax
    _d = setup_inputs()
    print(jax.jit(kernel)(*tuple(_d.values())))

</pallas_src>

<mosaic_0001>
#map = affine_map<(d0, d1) -> (0, 0)>
#map1 = affine_map<(d0, d1) -> (0)>
module attributes {stable_mosaic.version = 14 : i64} {
  func.func @_rewritten_body(%arg0: i32, %arg1: i32, %arg2: memref<4x8192xi32, #tpu.memory_space<hbm>>, %arg3: memref<1xi32, #tpu.memory_space<hbm>>, %arg4: memref<4x8192xf32, #tpu.memory_space<hbm>>, %arg5: memref<8192xf32, #tpu.memory_space<vmem>>, %arg6: memref<8192xi32, #tpu.memory_space<vmem>>) attributes {dimension_semantics = [#tpu.dimension_semantics<core_parallel>, #tpu.dimension_semantics<subcore_parallel>], iteration_bounds = array<i64: 2, 16>, scalar_prefetch = 0 : i64, scratch_operands = 2 : i64, tpu.core_type = #tpu.core_type<sc_vector_subcore>, window_params = [{transform_indices = #map}, {transform_indices = #map1}, {transform_indices = #map}]} {
    %empty_ref3A = memref.alloca() : memref<16xi32, #tpu.memory_space<vmem>>
    "tpu.region"() ({
      %run_scoped3A = tpu.sem_alloc : memref<!tpu.dma_semaphore, #tpu.memory_space<semaphore_mem>>
      %dma_start3A = arith.constant 0 : i32
      %dma_start3A_5 = tpu.memref_slice %empty_ref3A[%dma_start3A] : memref<16xi32, #tpu.memory_space<vmem>> -> memref<1xi32, #tpu.memory_space<vmem>>
      %dma_start3A_6 = arith.constant 0 : i32
      %dma_start3A_7 = tpu.memref_slice %empty_ref3A[%dma_start3A_6] : memref<16xi32, #tpu.memory_space<vmem>> -> memref<1xi32, #tpu.memory_space<vmem>>
      tpu.enqueue_dma source(%arg3 : memref<1xi32, #tpu.memory_space<hbm>>) target(%dma_start3A_7 : memref<1xi32, #tpu.memory_space<vmem>>) target_semaphore(%run_scoped3A : memref<!tpu.dma_semaphore, #tpu.memory_space<semaphore_mem>>)
      %dma_wait3A = arith.constant 0 : i32
      %dma_wait3A_8 = tpu.memref_slice %empty_ref3A[%dma_wait3A] : memref<16xi32, #tpu.memory_space<vmem>> -> memref<1xi32, #tpu.memory_space<vmem>>
      %dma_wait3A_9 = arith.constant 0 : i32
      %dma_wait3A_10 = tpu.memref_slice %empty_ref3A[%dma_wait3A_9] : memref<16xi32, #tpu.memory_space<vmem>> -> memref<1xi32, #tpu.memory_space<vmem>>
      tpu.wait_dma2 semaphore(%run_scoped3A : memref<!tpu.dma_semaphore, #tpu.memory_space<semaphore_mem>>) src(%arg3 : memref<1xi32, #tpu.memory_space<hbm>>) dst(%dma_wait3A_10 : memref<1xi32, #tpu.memory_space<vmem>>)
      tpu.yield
    }) : () -> ()
    %get3A = arith.constant 0 : index
    %get3A_0 = tpu.vector_load %empty_ref3A[%get3A] {strides = array<i32>} : memref<16xi32, #tpu.memory_space<vmem>>, vector<16xi32>,
    %get3A_1 = vector.shape_cast %get3A_0 : vector<16xi32> to vector<16xi32>
    %slice3A = vector.extract_strided_slice %get3A_1 {offsets = [0], sizes = [1], strides = [1]} : vector<16xi32> to vector<1xi32>
    %squeeze3A = vector.extract %slice3A[0] : i32 from vector<1xi32>
    %mul3A = arith.constant 2 : i32
    %mul3A_2 = arith.muli %arg1, %mul3A : i32
    %add3A = arith.addi %mul3A_2, %arg0 : i32
    %lt3A = arith.constant 4 : i32
    %lt3A_3 = arith.cmpi slt, %add3A, %lt3A : i32
    %convert_element_type3A = arith.extui %lt3A_3 : i1 to i32
    %cond3A = arith.constant 0 : i32
    %cond3A_4 = arith.cmpi ne, %convert_element_type3A, %cond3A : i32
    scf.if %cond3A_4 {
      "tpu.region"() ({
        %run_scoped3A = tpu.sem_alloc : memref<!tpu.dma_semaphore, #tpu.memory_space<semaphore_mem>>
        %dma_start3A = arith.constant 0 : i32
        %dma_start3A_93 = tpu.memref_slice %arg2[%add3A, %dma_start3A] : memref<4x8192xi32, #tpu.memory_space<hbm>> -> memref<1x8192xi32, #tpu.memory_space<hbm>>
        %dma_start3A_94 = tpu.memref_squeeze %dma_start3A_93 : memref<1x8192xi32, #tpu.memory_space<hbm>> -> memref<8192xi32, #tpu.memory_space<hbm>>
        %dma_start3A_95 = arith.constant 0 : i32
        %dma_start3A_96 = tpu.memref_slice %arg2[%add3A, %dma_start3A_95] : memref<4x8192xi32, #tpu.memory_space<hbm>> -> memref<1x8192xi32, #tpu.memory_space<hbm>>
        %dma_start3A_97 = tpu.memref_squeeze %dma_start3A_96 : memref<1x8192xi32, #tpu.memory_space<hbm>> -> memref<8192xi32, #tpu.memory_space<hbm>>
        tpu.enqueue_dma source(%dma_start3A_97 : memref<8192xi32, #tpu.memory_space<hbm>>) target(%arg6 : memref<8192xi32, #tpu.memory_space<vmem>>) target_semaphore(%run_scoped3A : memref<!tpu.dma_semaphore, #tpu.memory_space<semaphore_mem>>)
        %dma_wait3A = arith.constant 0 : i32
        %dma_wait3A_98 = tpu.memref_slice %arg2[%add3A, %dma_wait3A] : memref<4x8192xi32, #tpu.memory_space<hbm>> -> memref<1x8192xi32, #tpu.memory_space<hbm>>
        %dma_wait3A_99 = tpu.memref_squeeze %dma_wait3A_98 : memref<1x8192xi32, #tpu.memory_space<hbm>> -> memref<8192xi32, #tpu.memory_space<hbm>>
        %dma_wait3A_100 = arith.constant 0 : i32
        %dma_wait3A_101 = tpu.memref_slice %arg2[%add3A, %dma_wait3A_100] : memref<4x8192xi32, #tpu.memory_space<hbm>> -> memref<1x8192xi32, #tpu.memory_space<hbm>>
        %dma_wait3A_102 = tpu.memref_squeeze %dma_wait3A_101 : memref<1x8192xi32, #tpu.memory_space<hbm>> -> memref<8192xi32, #tpu.memory_space<hbm>>
        tpu.wait_dma2 semaphore(%run_scoped3A : memref<!tpu.dma_semaphore, #tpu.memory_space<semaphore_mem>>) src(%dma_wait3A_102 : memref<8192xi32, #tpu.memory_space<hbm>>) dst(%arg6 : memref<8192xi32, #tpu.memory_space<vmem>>)
        tpu.yield
      }) : () -> ()
      %iota3A = tpu.iota {dimensions = array<i32: 0>} : vector<16xi32>
      %scan3A = arith.constant 0 : i32
      %scan3A_5 = arith.constant 0 : i32
      %scan3A_6 = arith.constant 512 : i32
      %scan3A_7 = arith.addi %scan3A_5, %scan3A_6 : i32
      %scan3A_8 = arith.constant 1 : i32
      %scan3A_9 = scf.for %scan3A_93 = %scan3A_5 to %scan3A_7 step %scan3A_8 iter_args(%scan3A_94 = %scan3A) -> (i32)  : i32 {
        %mul3A_95 = arith.constant 16 : i32
        %mul3A_96 = arith.muli %scan3A_93, %mul3A_95 : i32
        %get3A_97 = arith.index_cast %mul3A_96 : i32 to index
        %get3A_98 = tpu.vector_load %arg6[%get3A_97] {strides = array<i32>} : memref<8192xi32, #tpu.memory_space<vmem>>, vector<16xi32>,
        %get3A_99 = vector.shape_cast %get3A_98 : vector<16xi32> to vector<16xi32>
        %shift_right_arithmetic3A = arith.constant 31 : i32
        %shift_right_arithmetic3A_100 = vector.broadcast %shift_right_arithmetic3A : i32 to vector<16xi32>
        %shift_right_arithmetic3A_101 = arith.shrsi %get3A_99, %shift_right_arithmetic3A_100 : vector<16xi32>
        %and3A = arith.constant 2147483647 : i32
        %and3A_102 = vector.broadcast %and3A : i32 to vector<16xi32>
        %and3A_103 = arith.andi %shift_right_arithmetic3A_101, %and3A_102 : vector<16xi32>
        %xor3A_104 = arith.xori %get3A_99, %and3A_103 : vector<16xi32>
        %mul3A_105 = arith.constant 16 : i32
        %mul3A_106 = arith.muli %scan3A_93, %mul3A_105 : i32
        %swap3A = arith.index_cast %mul3A_106 : i32 to index
        %swap3A_107 = tpu.vector_load %arg6[%swap3A] {strides = array<i32>} : memref<8192xi32, #tpu.memory_space<vmem>>, vector<16xi32>,
        %swap3A_108 = vector.shape_cast %swap3A_107 : vector<16xi32> to vector<16xi32>
        %swap3A_109 = vector.shape_cast %xor3A_104 : vector<16xi32> to vector<16xi32>
        tpu.vector_store %arg6[%swap3A], %swap3A_109 {strides = array<i32>} : memref<8192xi32, #tpu.memory_space<vmem>>, vector<16xi32>,
        %scan3A_110 = arith.constant 0 : i32
        scf.yield %scan3A_110 : i32
      }
      %scan3A_10 = arith.constant 512 : i32
      %broadcast_in_dim3A = arith.constant 1024 : i32
      %broadcast_in_dim3A_11 = vector.broadcast %broadcast_in_dim3A : i32 to vector<16xi32>
      %broadcast_in_dim3A_12 = arith.constant 0 : i32
      %broadcast_in_dim3A_13 = vector.broadcast %broadcast_in_dim3A_12 : i32 to vector<16xi32>
      %scan3A_14 = arith.constant 0 : i32
      %scan3A_15 = arith.constant 32 : i32
      %scan3A_16 = arith.addi %scan3A_14, %scan3A_15 : i32
      %scan3A_17 = arith.constant 1 : i32
      %scan3A_18 = scf.for %scan3A_93 = %scan3A_14 to %scan3A_16 step %scan3A_17 iter_args(%scan3A_94 = %broadcast_in_dim3A_13) -> (vector<16xi32>)  : i32 {
        %sub3A_95 = arith.constant 31 : i32
        %sub3A_96 = arith.subi %sub3A_95, %scan3A_93 : i32
        %shift_left3A = arith.constant 1 : i32
        %shift_left3A_97 = arith.shli %shift_left3A, %sub3A_96 : i32
        %or3A = vector.broadcast %shift_left3A_97 : i32 to vector<16xi32>
        %or3A_98 = arith.ori %scan3A_94, %or3A : vector<16xi32>
        %xor3A_99 = vector.broadcast %squeeze3A : i32 to vector<16xi32>
        %xor3A_100 = arith.xori %or3A_98, %xor3A_99 : vector<16xi32>
        %broadcast_in_dim3A_101 = arith.constant 0 : i32
        %broadcast_in_dim3A_102 = vector.broadcast %broadcast_in_dim3A_101 : i32 to vector<16xi32>
        %broadcast_in_dim3A_103 = arith.constant 0 : i32
        %broadcast_in_dim3A_104 = vector.broadcast %broadcast_in_dim3A_103 : i32 to vector<16xi32>
        %broadcast_in_dim3A_105 = arith.constant 0 : i32
        %broadcast_in_dim3A_106 = vector.broadcast %broadcast_in_dim3A_105 : i32 to vector<16xi32>
        %broadcast_in_dim3A_107 = arith.constant 0 : i32
        %broadcast_in_dim3A_108 = vector.broadcast %broadcast_in_dim3A_107 : i32 to vector<16xi32>
        %broadcast_in_dim3A_109 = arith.constant 0 : i32
        %broadcast_in_dim3A_110 = vector.broadcast %broadcast_in_dim3A_109 : i32 to vector<16xi32>
        %broadcast_in_dim3A_111 = arith.constant 0 : i32
        %broadcast_in_dim3A_112 = vector.broadcast %broadcast_in_dim3A_111 : i32 to vector<16xi32>
        %broadcast_in_dim3A_113 = arith.constant 0 : i32
        %broadcast_in_dim3A_114 = vector.broadcast %broadcast_in_dim3A_113 : i32 to vector<16xi32>
        %broadcast_in_dim3A_115 = arith.constant 0 : i32
        %broadcast_in_dim3A_116 = vector.broadcast %broadcast_in_dim3A_115 : i32 to vector<16xi32>
        %scan3A_117 = arith.constant 0 : i32
        %scan3A_118 = arith.constant 64 : i32
        %scan3A_119 = arith.addi %scan3A_117, %scan3A_118 : i32
        %scan3A_120 = arith.constant 1 : i32
        %scan3A_121:8 = scf.for %scan3A_187 = %scan3A_117 to %scan3A_119 step %scan3A_120 iter_args(%scan3A_188 = %broadcast_in_dim3A_102, %scan3A_189 = %broadcast_in_dim3A_104, %scan3A_190 = %broadcast_in_dim3A_106, %scan3A_191 = %broadcast_in_dim3A_108, %scan3A_192 = %broadcast_in_dim3A_110, %scan3A_193 = %broadcast_in_dim3A_112, %scan3A_194 = %broadcast_in_dim3A_114, %scan3A_195 = %broadcast_in_dim3A_116) -> (vector<16xi32>, vector<16xi32>, vector<16xi32>, vector<16xi32>, vector<16xi32>, vector<16xi32>, vector<16xi32>, vector<16xi32>)  : i32 {
          %mul3A_196 = arith.constant 8 : i32
          %mul3A_197 = arith.muli %scan3A_187, %mul3A_196 : i32
          %add3A_198 = arith.constant 0 : i32
          %add3A_199 = arith.addi %mul3A_197, %add3A_198 : i32
          %mul3A_200 = arith.constant 16 : i32
          %mul3A_201 = arith.muli %add3A_199, %mul3A_200 : i32
          %get3A_202 = arith.index_cast %mul3A_201 : i32 to index
          %get3A_203 = tpu.vector_load %arg6[%get3A_202] {strides = array<i32>} : memref<8192xi32, #tpu.memory_space<vmem>>, vector<16xi32>,
          %get3A_204 = vector.shape_cast %get3A_203 : vector<16xi32> to vector<16xi32>
          %ge3A_205 = arith.cmpi sge, %get3A_204, %xor3A_100 : vector<16xi32>
          %jit3A = arith.constant 1 : i32
          %jit3A_206 = arith.constant 0 : i32
          %broadcast_in_dim3A_207 = vector.broadcast %jit3A : i32 to vector<16xi32>
          %broadcast_in_dim3A_208 = vector.broadcast %jit3A_206 : i32 to vector<16xi32>
          %select_n3A_209 = arith.select %ge3A_205, %broadcast_in_dim3A_207, %broadcast_in_dim3A_208 : vector<16xi1>, vector<16xi32>
          %add3A_210 = arith.addi %scan3A_188, %select_n3A_209 : vector<16xi32>
          %mul3A_211 = arith.constant 8 : i32
          %mul3A_212 = arith.muli %scan3A_187, %mul3A_211 : i32
          %add3A_213 = arith.constant 1 : i32
          %add3A_214 = arith.addi %mul3A_212, %add3A_213 : i32
          %mul3A_215 = arith.constant 16 : i32
          %mul3A_216 = arith.muli %add3A_214, %mul3A_215 : i32
          %get3A_217 = arith.index_cast %mul3A_216 : i32 to index
          %get3A_218 = tpu.vector_load %arg6[%get3A_217] {strides = array<i32>} : memref<8192xi32, #tpu.memory_space<vmem>>, vector<16xi32>,
          %get3A_219 = vector.shape_cast %get3A_218 : vector<16xi32> to vector<16xi32>
          %ge3A_220 = arith.cmpi sge, %get3A_219, %xor3A_100 : vector<16xi32>
          %jit3A_221 = arith.constant 1 : i32
          %jit3A_222 = arith.constant 0 : i32
          %broadcast_in_dim3A_223 = vector.broadcast %jit3A_221 : i32 to vector<16xi32>
          %broadcast_in_dim3A_224 = vector.broadcast %jit3A_222 : i32 to vector<16xi32>
          %select_n3A_225 = arith.select %ge3A_220, %broadcast_in_dim3A_223, %broadcast_in_dim3A_224 : vector<16xi1>, vector<16xi32>
          %add3A_226 = arith.addi %scan3A_189, %select_n3A_225 : vector<16xi32>
          %mul3A_227 = arith.constant 8 : i32
          %mul3A_228 = arith.muli %scan3A_187, %mul3A_227 : i32
          %add3A_229 = arith.constant 2 : i32
          %add3A_230 = arith.addi %mul3A_228, %add3A_229 : i32
          %mul3A_231 = arith.constant 16 : i32
          %mul3A_232 = arith.muli %add3A_230, %mul3A_231 : i32
          %get3A_233 = arith.index_cast %mul3A_232 : i32 to index
          %get3A_234 = tpu.vector_load %arg6[%get3A_233] {strides = array<i32>} : memref<8192xi32, #tpu.memory_space<vmem>>, vector<16xi32>,
          %get3A_235 = vector.shape_cast %get3A_234 : vector<16xi32> to vector<16xi32>
          %ge3A_236 = arith.cmpi sge, %get3A_235, %xor3A_100 : vector<16xi32>
          %jit3A_237 = arith.constant 1 : i32
          %jit3A_238 = arith.constant 0 : i32
          %broadcast_in_dim3A_239 = vector.broadcast %jit3A_237 : i32 to vector<16xi32>
          %broadcast_in_dim3A_240 = vector.broadcast %jit3A_238 : i32 to vector<16xi32>
          %select_n3A_241 = arith.select %ge3A_236, %broadcast_in_dim3A_239, %broadcast_in_dim3A_240 : vector<16xi1>, vector<16xi32>
          %add3A_242 = arith.addi %scan3A_190, %select_n3A_241 : vector<16xi32>
          %mul3A_243 = arith.constant 8 : i32
          %mul3A_244 = arith.muli %scan3A_187, %mul3A_243 : i32
          %add3A_245 = arith.constant 3 : i32
          %add3A_246 = arith.addi %mul3A_244, %add3A_245 : i32
          %mul3A_247 = arith.constant 16 : i32
          %mul3A_248 = arith.muli %add3A_246, %mul3A_247 : i32
          %get3A_249 = arith.index_cast %mul3A_248 : i32 to index
          %get3A_250 = tpu.vector_load %arg6[%get3A_249] {strides = array<i32>} : memref<8192xi32, #tpu.memory_space<vmem>>, vector<16xi32>,
          %get3A_251 = vector.shape_cast %get3A_250 : vector<16xi32> to vector<16xi32>
          %ge3A_252 = arith.cmpi sge, %get3A_251, %xor3A_100 : vector<16xi32>
          %jit3A_253 = arith.constant 1 : i32
          %jit3A_254 = arith.constant 0 : i32
          %broadcast_in_dim3A_255 = vector.broadcast %jit3A_253 : i32 to vector<16xi32>
          %broadcast_in_dim3A_256 = vector.broadcast %jit3A_254 : i32 to vector<16xi32>
          %select_n3A_257 = arith.select %ge3A_252, %broadcast_in_dim3A_255, %broadcast_in_dim3A_256 : vector<16xi1>, vector<16xi32>
          %add3A_258 = arith.addi %scan3A_191, %select_n3A_257 : vector<16xi32>
          %mul3A_259 = arith.constant 8 : i32
          %mul3A_260 = arith.muli %scan3A_187, %mul3A_259 : i32
          %add3A_261 = arith.constant 4 : i32
          %add3A_262 = arith.addi %mul3A_260, %add3A_261 : i32
          %mul3A_263 = arith.constant 16 : i32
          %mul3A_264 = arith.muli %add3A_262, %mul3A_263 : i32
          %get3A_265 = arith.index_cast %mul3A_264 : i32 to index
          %get3A_266 = tpu.vector_load %arg6[%get3A_265] {strides = array<i32>} : memref<8192xi32, #tpu.memory_space<vmem>>, vector<16xi32>,
          %get3A_267 = vector.shape_cast %get3A_266 : vector<16xi32> to vector<16xi32>
          %ge3A_268 = arith.cmpi sge, %get3A_267, %xor3A_100 : vector<16xi32>
          %jit3A_269 = arith.constant 1 : i32
          %jit3A_270 = arith.constant 0 : i32
          %broadcast_in_dim3A_271 = vector.broadcast %jit3A_269 : i32 to vector<16xi32>
          %broadcast_in_dim3A_272 = vector.broadcast %jit3A_270 : i32 to vector<16xi32>
          %select_n3A_273 = arith.select %ge3A_268, %broadcast_in_dim3A_271, %broadcast_in_dim3A_272 : vector<16xi1>, vector<16xi32>
          %add3A_274 = arith.addi %scan3A_192, %select_n3A_273 : vector<16xi32>
          %mul3A_275 = arith.constant 8 : i32
          %mul3A_276 = arith.muli %scan3A_187, %mul3A_275 : i32
          %add3A_277 = arith.constant 5 : i32
          %add3A_278 = arith.addi %mul3A_276, %add3A_277 : i32
          %mul3A_279 = arith.constant 16 : i32
          %mul3A_280 = arith.muli %add3A_278, %mul3A_279 : i32
          %get3A_281 = arith.index_cast %mul3A_280 : i32 to index
          %get3A_282 = tpu.vector_load %arg6[%get3A_281] {strides = array<i32>} : memref<8192xi32, #tpu.memory_space<vmem>>, vector<16xi32>,
          %get3A_283 = vector.shape_cast %get3A_282 : vector<16xi32> to vector<16xi32>
          %ge3A_284 = arith.cmpi sge, %get3A_283, %xor3A_100 : vector<16xi32>
          %jit3A_285 = arith.constant 1 : i32
          %jit3A_286 = arith.constant 0 : i32
          %broadcast_in_dim3A_287 = vector.broadcast %jit3A_285 : i32 to vector<16xi32>
          %broadcast_in_dim3A_288 = vector.broadcast %jit3A_286 : i32 to vector<16xi32>
          %select_n3A_289 = arith.select %ge3A_284, %broadcast_in_dim3A_287, %broadcast_in_dim3A_288 : vector<16xi1>, vector<16xi32>
          %add3A_290 = arith.addi %scan3A_193, %select_n3A_289 : vector<16xi32>
          %mul3A_291 = arith.constant 8 : i32
          %mul3A_292 = arith.muli %scan3A_187, %mul3A_291 : i32
          %add3A_293 = arith.constant 6 : i32
          %add3A_294 = arith.addi %mul3A_292, %add3A_293 : i32
          %mul3A_295 = arith.constant 16 : i32
          %mul3A_296 = arith.muli %add3A_294, %mul3A_295 : i32
          %get3A_297 = arith.index_cast %mul3A_296 : i32 to index
          %get3A_298 = tpu.vector_load %arg6[%get3A_297] {strides = array<i32>} : memref<8192xi32, #tpu.memory_space<vmem>>, vector<16xi32>,
          %get3A_299 = vector.shape_cast %get3A_298 : vector<16xi32> to vector<16xi32>
          %ge3A_300 = arith.cmpi sge, %get3A_299, %xor3A_100 : vector<16xi32>
          %jit3A_301 = arith.constant 1 : i32
          %jit3A_302 = arith.constant 0 : i32
          %broadcast_in_dim3A_303 = vector.broadcast %jit3A_301 : i32 to vector<16xi32>
          %broadcast_in_dim3A_304 = vector.broadcast %jit3A_302 : i32 to vector<16xi32>
          %select_n3A_305 = arith.select %ge3A_300, %broadcast_in_dim3A_303, %broadcast_in_dim3A_304 : vector<16xi1>, vector<16xi32>
          %add3A_306 = arith.addi %scan3A_194, %select_n3A_305 : vector<16xi32>
          %mul3A_307 = arith.constant 8 : i32
          %mul3A_308 = arith.muli %scan3A_187, %mul3A_307 : i32
          %add3A_309 = arith.constant 7 : i32
          %add3A_310 = arith.addi %mul3A_308, %add3A_309 : i32
          %mul3A_311 = arith.constant 16 : i32
          %mul3A_312 = arith.muli %add3A_310, %mul3A_311 : i32
          %get3A_313 = arith.index_cast %mul3A_312 : i32 to index
          %get3A_314 = tpu.vector_load %arg6[%get3A_313] {strides = array<i32>} : memref<8192xi32, #tpu.memory_space<vmem>>, vector<16xi32>,
          %get3A_315 = vector.shape_cast %get3A_314 : vector<16xi32> to vector<16xi32>
          %ge3A_316 = arith.cmpi sge, %get3A_315, %xor3A_100 : vector<16xi32>
          %jit3A_317 = arith.constant 1 : i32
          %jit3A_318 = arith.constant 0 : i32
          %broadcast_in_dim3A_319 = vector.broadcast %jit3A_317 : i32 to vector<16xi32>
          %broadcast_in_dim3A_320 = vector.broadcast %jit3A_318 : i32 to vector<16xi32>
          %select_n3A_321 = arith.select %ge3A_316, %broadcast_in_dim3A_319, %broadcast_in_dim3A_320 : vector<16xi1>, vector<16xi32>
          %add3A_322 = arith.addi %scan3A_195, %select_n3A_321 : vector<16xi32>
          scf.yield %add3A_210, %add3A_226, %add3A_242, %add3A_258, %add3A_274, %add3A_290, %add3A_306, %add3A_322 : vector<16xi32>, vector<16xi32>, vector<16xi32>, vector<16xi32>, vector<16xi32>, vector<16xi32>, vector<16xi32>, vector<16xi32>
        }
        %scan3A_122 = arith.constant 64 : i32
        %add3A_123 = arith.addi %scan3A_121#0, %scan3A_121#1 : vector<16xi32>
        %add3A_124 = arith.addi %add3A_123, %scan3A_121#2 : vector<16xi32>
        %add3A_125 = arith.addi %add3A_124, %scan3A_121#3 : vector<16xi32>
        %add3A_126 = arith.addi %add3A_125, %scan3A_121#4 : vector<16xi32>
        %add3A_127 = arith.addi %add3A_126, %scan3A_121#5 : vector<16xi32>
        %add3A_128 = arith.addi %add3A_127, %scan3A_121#6 : vector<16xi32>
        %add3A_129 = arith.addi %add3A_128, %scan3A_121#7 : vector<16xi32>
        %xor3A_130 = arith.constant 8 : i32
        %xor3A_131 = vector.broadcast %xor3A_130 : i32 to vector<16xi32>
        %xor3A_132 = arith.xori %iota3A, %xor3A_131 : vector<16xi32>
        %lt3A_133 = arith.constant 0 : i32
        %lt3A_134 = vector.broadcast %lt3A_133 : i32 to vector<16xi32>
        %lt3A_135 = arith.cmpi slt, %xor3A_132, %lt3A_134 : vector<16xi32>
        %add3A_136 = arith.constant 16 : i32
        %add3A_137 = vector.broadcast %add3A_136 : i32 to vector<16xi32>
        %add3A_138 = arith.addi %xor3A_132, %add3A_137 : vector<16xi32>
        %select_n3A_139 = arith.select %lt3A_135, %add3A_138, %xor3A_132 : vector<16xi1>, vector<16xi32>
        %broadcast_in_dim3A_140 = vector.shape_cast %select_n3A_139 : vector<16xi32> to vector<16x1xi32>
        %gather3A_141 = vector.shape_cast %broadcast_in_dim3A_140 : vector<16x1xi32> to vector<16xi32>
        %gather3A_142 = tpu.dynamic_gather %add3A_129[%gather3A_141] in [0] : vector<16xi32>, vector<16xi32> -> vector<16xi32>
        %add3A_143 = arith.addi %add3A_129, %gather3A_142 : vector<16xi32>
        %xor3A_144 = arith.constant 4 : i32
        %xor3A_145 = vector.broadcast %xor3A_144 : i32 to vector<16xi32>
        %xor3A_146 = arith.xori %iota3A, %xor3A_145 : vector<16xi32>
        %lt3A_147 = arith.constant 0 : i32
        %lt3A_148 = vector.broadcast %lt3A_147 : i32 to vector<16xi32>
        %lt3A_149 = arith.cmpi slt, %xor3A_146, %lt3A_148 : vector<16xi32>
        %add3A_150 = arith.constant 16 : i32
        %add3A_151 = vector.broadcast %add3A_150 : i32 to vector<16xi32>
        %add3A_152 = arith.addi %xor3A_146, %add3A_151 : vector<16xi32>
        %select_n3A_153 = arith.select %lt3A_149, %add3A_152, %xor3A_146 : vector<16xi1>, vector<16xi32>
        %broadcast_in_dim3A_154 = vector.shape_cast %select_n3A_153 : vector<16xi32> to vector<16x1xi32>
        %gather3A_155 = vector.shape_cast %broadcast_in_dim3A_154 : vector<16x1xi32> to vector<16xi32>
        %gather3A_156 = tpu.dynamic_gather %add3A_143[%gather3A_155] in [0] : vector<16xi32>, vector<16xi32> -> vector<16xi32>
        %add3A_157 = arith.addi %add3A_143, %gather3A_156 : vector<16xi32>
        %xor3A_158 = arith.constant 2 : i32
        %xor3A_159 = vector.broadcast %xor3A_158 : i32 to vector<16xi32>
        %xor3A_160 = arith.xori %iota3A, %xor3A_159 : vector<16xi32>
        %lt3A_161 = arith.constant 0 : i32
        %lt3A_162 = vector.broadcast %lt3A_161 : i32 to vector<16xi32>
        %lt3A_163 = arith.cmpi slt, %xor3A_160, %lt3A_162 : vector<16xi32>
        %add3A_164 = arith.constant 16 : i32
        %add3A_165 = vector.broadcast %add3A_164 : i32 to vector<16xi32>
        %add3A_166 = arith.addi %xor3A_160, %add3A_165 : vector<16xi32>
        %select_n3A_167 = arith.select %lt3A_163, %add3A_166, %xor3A_160 : vector<16xi1>, vector<16xi32>
        %broadcast_in_dim3A_168 = vector.shape_cast %select_n3A_167 : vector<16xi32> to vector<16x1xi32>
        %gather3A_169 = vector.shape_cast %broadcast_in_dim3A_168 : vector<16x1xi32> to vector<16xi32>
        %gather3A_170 = tpu.dynamic_gather %add3A_157[%gather3A_169] in [0] : vector<16xi32>, vector<16xi32> -> vector<16xi32>
        %add3A_171 = arith.addi %add3A_157, %gather3A_170 : vector<16xi32>
        %xor3A_172 = arith.constant 1 : i32
        %xor3A_173 = vector.broadcast %xor3A_172 : i32 to vector<16xi32>
        %xor3A_174 = arith.xori %iota3A, %xor3A_173 : vector<16xi32>
        %lt3A_175 = arith.constant 0 : i32
        %lt3A_176 = vector.broadcast %lt3A_175 : i32 to vector<16xi32>
        %lt3A_177 = arith.cmpi slt, %xor3A_174, %lt3A_176 : vector<16xi32>
        %add3A_178 = arith.constant 16 : i32
        %add3A_179 = vector.broadcast %add3A_178 : i32 to vector<16xi32>
        %add3A_180 = arith.addi %xor3A_174, %add3A_179 : vector<16xi32>
        %select_n3A_181 = arith.select %lt3A_177, %add3A_180, %xor3A_174 : vector<16xi1>, vector<16xi32>
        %broadcast_in_dim3A_182 = vector.shape_cast %select_n3A_181 : vector<16xi32> to vector<16x1xi32>
        %gather3A_183 = vector.shape_cast %broadcast_in_dim3A_182 : vector<16x1xi32> to vector<16xi32>
        %gather3A_184 = tpu.dynamic_gather %add3A_171[%gather3A_183] in [0] : vector<16xi32>, vector<16xi32> -> vector<16xi32>
        %add3A_185 = arith.addi %add3A_171, %gather3A_184 : vector<16xi32>
        %ge3A = arith.cmpi sge, %add3A_185, %broadcast_in_dim3A_11 : vector<16xi32>
        %select_n3A_186 = arith.select %ge3A, %or3A_98, %scan3A_94 : vector<16xi1>, vector<16xi32>
        scf.yield %select_n3A_186 : vector<16xi32>
      }
      %scan3A_19 = arith.constant 32 : i32
      %xor3A = vector.broadcast %squeeze3A : i32 to vector<16xi32>
      %xor3A_20 = arith.xori %scan3A_18, %xor3A : vector<16xi32>
      %broadcast_in_dim3A_21 = arith.constant 0 : i32
      %broadcast_in_dim3A_22 = vector.broadcast %broadcast_in_dim3A_21 : i32 to vector<16xi32>
      %scan3A_23 = arith.constant 0 : i32
      %scan3A_24 = arith.constant 512 : i32
      %scan3A_25 = arith.addi %scan3A_23, %scan3A_24 : i32
      %scan3A_26 = arith.constant 1 : i32
      %scan3A_27 = scf.for %scan3A_93 = %scan3A_23 to %scan3A_25 step %scan3A_26 iter_args(%scan3A_94 = %broadcast_in_dim3A_22) -> (vector<16xi32>)  : i32 {
        %mul3A_95 = arith.constant 16 : i32
        %mul3A_96 = arith.muli %scan3A_93, %mul3A_95 : i32
        %get3A_97 = arith.index_cast %mul3A_96 : i32 to index
        %get3A_98 = tpu.vector_load %arg6[%get3A_97] {strides = array<i32>} : memref<8192xi32, #tpu.memory_space<vmem>>, vector<16xi32>,
        %get3A_99 = vector.shape_cast %get3A_98 : vector<16xi32> to vector<16xi32>
        %gt3A = arith.cmpi sgt, %get3A_99, %xor3A_20 : vector<16xi32>
        %jit3A = arith.constant 1 : i32
        %jit3A_100 = arith.constant 0 : i32
        %broadcast_in_dim3A_101 = vector.broadcast %jit3A : i32 to vector<16xi32>
        %broadcast_in_dim3A_102 = vector.broadcast %jit3A_100 : i32 to vector<16xi32>
        %select_n3A_103 = arith.select %gt3A, %broadcast_in_dim3A_101, %broadcast_in_dim3A_102 : vector<16xi1>, vector<16xi32>
        %add3A_104 = arith.addi %scan3A_94, %select_n3A_103 : vector<16xi32>
        scf.yield %add3A_104 : vector<16xi32>
      }
      %scan3A_28 = arith.constant 512 : i32
      %xor3A_29 = arith.constant 8 : i32
      %xor3A_30 = vector.broadcast %xor3A_29 : i32 to vector<16xi32>
      %xor3A_31 = arith.xori %iota3A, %xor3A_30 : vector<16xi32>
      %lt3A_32 = arith.constant 0 : i32
      %lt3A_33 = vector.broadcast %lt3A_32 : i32 to vector<16xi32>
      %lt3A_34 = arith.cmpi slt, %xor3A_31, %lt3A_33 : vector<16xi32>
      %add3A_35 = arith.constant 16 : i32
      %add3A_36 = vector.broadcast %add3A_35 : i32 to vector<16xi32>
      %add3A_37 = arith.addi %xor3A_31, %add3A_36 : vector<16xi32>
      %select_n3A = arith.select %lt3A_34, %add3A_37, %xor3A_31 : vector<16xi1>, vector<16xi32>
      %broadcast_in_dim3A_38 = vector.shape_cast %select_n3A : vector<16xi32> to vector<16x1xi32>
      %gather3A = vector.shape_cast %broadcast_in_dim3A_38 : vector<16x1xi32> to vector<16xi32>
      %gather3A_39 = tpu.dynamic_gather %scan3A_27[%gather3A] in [0] : vector<16xi32>, vector<16xi32> -> vector<16xi32>
      %add3A_40 = arith.addi %scan3A_27, %gather3A_39 : vector<16xi32>
      %xor3A_41 = arith.constant 4 : i32
      %xor3A_42 = vector.broadcast %xor3A_41 : i32 to vector<16xi32>
      %xor3A_43 = arith.xori %iota3A, %xor3A_42 : vector<16xi32>
      %lt3A_44 = arith.constant 0 : i32
      %lt3A_45 = vector.broadcast %lt3A_44 : i32 to vector<16xi32>
      %lt3A_46 = arith.cmpi slt, %xor3A_43, %lt3A_45 : vector<16xi32>
      %add3A_47 = arith.constant 16 : i32
      %add3A_48 = vector.broadcast %add3A_47 : i32 to vector<16xi32>
      %add3A_49 = arith.addi %xor3A_43, %add3A_48 : vector<16xi32>
      %select_n3A_50 = arith.select %lt3A_46, %add3A_49, %xor3A_43 : vector<16xi1>, vector<16xi32>
      %broadcast_in_dim3A_51 = vector.shape_cast %select_n3A_50 : vector<16xi32> to vector<16x1xi32>
      %gather3A_52 = vector.shape_cast %broadcast_in_dim3A_51 : vector<16x1xi32> to vector<16xi32>
      %gather3A_53 = tpu.dynamic_gather %add3A_40[%gather3A_52] in [0] : vector<16xi32>, vector<16xi32> -> vector<16xi32>
      %add3A_54 = arith.addi %add3A_40, %gather3A_53 : vector<16xi32>
      %xor3A_55 = arith.constant 2 : i32
      %xor3A_56 = vector.broadcast %xor3A_55 : i32 to vector<16xi32>
      %xor3A_57 = arith.xori %iota3A, %xor3A_56 : vector<16xi32>
      %lt3A_58 = arith.constant 0 : i32
      %lt3A_59 = vector.broadcast %lt3A_58 : i32 to vector<16xi32>
      %lt3A_60 = arith.cmpi slt, %xor3A_57, %lt3A_59 : vector<16xi32>
      %add3A_61 = arith.constant 16 : i32
      %add3A_62 = vector.broadcast %add3A_61 : i32 to vector<16xi32>
      %add3A_63 = arith.addi %xor3A_57, %add3A_62 : vector<16xi32>
      %select_n3A_64 = arith.select %lt3A_60, %add3A_63, %xor3A_57 : vector<16xi1>, vector<16xi32>
      %broadcast_in_dim3A_65 = vector.shape_cast %select_n3A_64 : vector<16xi32> to vector<16x1xi32>
      %gather3A_66 = vector.shape_cast %broadcast_in_dim3A_65 : vector<16x1xi32> to vector<16xi32>
      %gather3A_67 = tpu.dynamic_gather %add3A_54[%gather3A_66] in [0] : vector<16xi32>, vector<16xi32> -> vector<16xi32>
      %add3A_68 = arith.addi %add3A_54, %gather3A_67 : vector<16xi32>
      %xor3A_69 = arith.constant 1 : i32
      %xor3A_70 = vector.broadcast %xor3A_69 : i32 to vector<16xi32>
      %xor3A_71 = arith.xori %iota3A, %xor3A_70 : vector<16xi32>
      %lt3A_72 = arith.constant 0 : i32
      %lt3A_73 = vector.broadcast %lt3A_72 : i32 to vector<16xi32>
      %lt3A_74 = arith.cmpi slt, %xor3A_71, %lt3A_73 : vector<16xi32>
      %add3A_75 = arith.constant 16 : i32
      %add3A_76 = vector.broadcast %add3A_75 : i32 to vector<16xi32>
      %add3A_77 = arith.addi %xor3A_71, %add3A_76 : vector<16xi32>
      %select_n3A_78 = arith.select %lt3A_74, %add3A_77, %xor3A_71 : vector<16xi1>, vector<16xi32>
      %broadcast_in_dim3A_79 = vector.shape_cast %select_n3A_78 : vector<16xi32> to vector<16x1xi32>
      %gather3A_80 = vector.shape_cast %broadcast_in_dim3A_79 : vector<16x1xi32> to vector<16xi32>
      %gather3A_81 = tpu.dynamic_gather %add3A_68[%gather3A_80] in [0] : vector<16xi32>, vector<16xi32> -> vector<16xi32>
      %add3A_82 = arith.addi %add3A_68, %gather3A_81 : vector<16xi32>
      %sub3A = arith.subi %broadcast_in_dim3A_11, %add3A_82 : vector<16xi32>
      %broadcast_in_dim3A_83 = arith.constant 15 : i32
      %broadcast_in_dim3A_84 = vector.broadcast %broadcast_in_dim3A_83 : i32 to vector<16xi32>
      %broadcast_in_dim3A_85 = arith.constant 0 : i32
      %broadcast_in_dim3A_86 = vector.broadcast %broadcast_in_dim3A_85 : i32 to vector<16xi32>
      %scan3A_87 = arith.constant 0 : i32
      %scan3A_88 = arith.constant 512 : i32
      %scan3A_89 = arith.addi %scan3A_87, %scan3A_88 : i32
      %scan3A_90 = arith.constant 1 : i32
      %scan3A_91 = scf.for %scan3A_93 = %scan3A_87 to %scan3A_89 step %scan3A_90 iter_args(%scan3A_94 = %broadcast_in_dim3A_86) -> (vector<16xi32>)  : i32 {
        %mul3A_95 = arith.constant 16 : i32
        %mul3A_96 = arith.muli %scan3A_93, %mul3A_95 : i32
        %get3A_97 = arith.index_cast %mul3A_96 : i32 to index
        %get3A_98 = tpu.vector_load %arg6[%get3A_97] {strides = array<i32>} : memref<8192xi32, #tpu.memory_space<vmem>>, vector<16xi32>,
        %get3A_99 = vector.shape_cast %get3A_98 : vector<16xi32> to vector<16xi32>
        %eq3A = arith.cmpi eq, %get3A_99, %xor3A_20 : vector<16xi32>
        %jit3A = arith.constant 1 : i32
        %jit3A_100 = arith.constant 0 : i32
        %broadcast_in_dim3A_101 = vector.broadcast %jit3A : i32 to vector<16xi32>
        %broadcast_in_dim3A_102 = vector.broadcast %jit3A_100 : i32 to vector<16xi32>
        %select_n3A_103 = arith.select %eq3A, %broadcast_in_dim3A_101, %broadcast_in_dim3A_102 : vector<16xi1>, vector<16xi32>
        %ge3A = arith.constant 1 : i32
        %ge3A_104 = vector.broadcast %ge3A : i32 to vector<16xi32>
        %ge3A_105 = arith.cmpi sge, %iota3A, %ge3A_104 : vector<16xi32>
        %sub3A_106 = arith.constant 1 : i32
        %sub3A_107 = vector.broadcast %sub3A_106 : i32 to vector<16xi32>
        %sub3A_108 = arith.subi %iota3A, %sub3A_107 : vector<16xi32>
        %and3A = arith.constant 15 : i32
        %and3A_109 = vector.broadcast %and3A : i32 to vector<16xi32>
        %and3A_110 = arith.andi %sub3A_108, %and3A_109 : vector<16xi32>
        %lt3A_111 = arith.constant 0 : i32
        %lt3A_112 = vector.broadcast %lt3A_111 : i32 to vector<16xi32>
        %lt3A_113 = arith.cmpi slt, %and3A_110, %lt3A_112 : vector<16xi32>
        %add3A_114 = arith.constant 16 : i32
        %add3A_115 = vector.broadcast %add3A_114 : i32 to vector<16xi32>
        %add3A_116 = arith.addi %and3A_110, %add3A_115 : vector<16xi32>
        %select_n3A_117 = arith.select %lt3A_113, %add3A_116, %and3A_110 : vector<16xi1>, vector<16xi32>
        %broadcast_in_dim3A_118 = vector.shape_cast %select_n3A_117 : vector<16xi32> to vector<16x1xi32>
        %gather3A_119 = vector.shape_cast %broadcast_in_dim3A_118 : vector<16x1xi32> to vector<16xi32>
        %gather3A_120 = tpu.dynamic_gather %select_n3A_103[%gather3A_119] in [0] : vector<16xi32>, vector<16xi32> -> vector<16xi32>
        %jit3A_121 = arith.constant 0 : i32
        %broadcast_in_dim3A_122 = vector.broadcast %jit3A_121 : i32 to vector<16xi32>
        %select_n3A_123 = arith.select %ge3A_105, %gather3A_120, %broadcast_in_dim3A_122 : vector<16xi1>, vector<16xi32>
        %add3A_124 = arith.addi %select_n3A_103, %select_n3A_123 : vector<16xi32>
        %ge3A_125 = arith.constant 2 : i32
        %ge3A_126 = vector.broadcast %ge3A_125 : i32 to vector<16xi32>
        %ge3A_127 = arith.cmpi sge, %iota3A, %ge3A_126 : vector<16xi32>
        %sub3A_128 = arith.constant 2 : i32
        %sub3A_129 = vector.broadcast %sub3A_128 : i32 to vector<16xi32>
        %sub3A_130 = arith.subi %iota3A, %sub3A_129 : vector<16xi32>
        %and3A_131 = arith.constant 15 : i32
        %and3A_132 = vector.broadcast %and3A_131 : i32 to vector<16xi32>
        %and3A_133 = arith.andi %sub3A_130, %and3A_132 : vector<16xi32>
        %lt3A_134 = arith.constant 0 : i32
        %lt3A_135 = vector.broadcast %lt3A_134 : i32 to vector<16xi32>
        %lt3A_136 = arith.cmpi slt, %and3A_133, %lt3A_135 : vector<16xi32>
        %add3A_137 = arith.constant 16 : i32
        %add3A_138 = vector.broadcast %add3A_137 : i32 to vector<16xi32>
        %add3A_139 = arith.addi %and3A_133, %add3A_138 : vector<16xi32>
        %select_n3A_140 = arith.select %lt3A_136, %add3A_139, %and3A_133 : vector<16xi1>, vector<16xi32>
        %broadcast_in_dim3A_141 = vector.shape_cast %select_n3A_140 : vector<16xi32> to vector<16x1xi32>
        %gather3A_142 = vector.shape_cast %broadcast_in_dim3A_141 : vector<16x1xi32> to vector<16xi32>
        %gather3A_143 = tpu.dynamic_gather %add3A_124[%gather3A_142] in [0] : vector<16xi32>, vector<16xi32> -> vector<16xi32>
        %jit3A_144 = arith.constant 0 : i32
        %broadcast_in_dim3A_145 = vector.broadcast %jit3A_144 : i32 to vector<16xi32>
        %select_n3A_146 = arith.select %ge3A_127, %gather3A_143, %broadcast_in_dim3A_145 : vector<16xi1>, vector<16xi32>
        %add3A_147 = arith.addi %add3A_124, %select_n3A_146 : vector<16xi32>
        %ge3A_148 = arith.constant 4 : i32
        %ge3A_149 = vector.broadcast %ge3A_148 : i32 to vector<16xi32>
        %ge3A_150 = arith.cmpi sge, %iota3A, %ge3A_149 : vector<16xi32>
        %sub3A_151 = arith.constant 4 : i32
        %sub3A_152 = vector.broadcast %sub3A_151 : i32 to vector<16xi32>
        %sub3A_153 = arith.subi %iota3A, %sub3A_152 : vector<16xi32>
        %and3A_154 = arith.constant 15 : i32
        %and3A_155 = vector.broadcast %and3A_154 : i32 to vector<16xi32>
        %and3A_156 = arith.andi %sub3A_153, %and3A_155 : vector<16xi32>
        %lt3A_157 = arith.constant 0 : i32
        %lt3A_158 = vector.broadcast %lt3A_157 : i32 to vector<16xi32>
        %lt3A_159 = arith.cmpi slt, %and3A_156, %lt3A_158 : vector<16xi32>
        %add3A_160 = arith.constant 16 : i32
        %add3A_161 = vector.broadcast %add3A_160 : i32 to vector<16xi32>
        %add3A_162 = arith.addi %and3A_156, %add3A_161 : vector<16xi32>
        %select_n3A_163 = arith.select %lt3A_159, %add3A_162, %and3A_156 : vector<16xi1>, vector<16xi32>
        %broadcast_in_dim3A_164 = vector.shape_cast %select_n3A_163 : vector<16xi32> to vector<16x1xi32>
        %gather3A_165 = vector.shape_cast %broadcast_in_dim3A_164 : vector<16x1xi32> to vector<16xi32>
        %gather3A_166 = tpu.dynamic_gather %add3A_147[%gather3A_165] in [0] : vector<16xi32>, vector<16xi32> -> vector<16xi32>
        %jit3A_167 = arith.constant 0 : i32
        %broadcast_in_dim3A_168 = vector.broadcast %jit3A_167 : i32 to vector<16xi32>
        %select_n3A_169 = arith.select %ge3A_150, %gather3A_166, %broadcast_in_dim3A_168 : vector<16xi1>, vector<16xi32>
        %add3A_170 = arith.addi %add3A_147, %select_n3A_169 : vector<16xi32>
        %ge3A_171 = arith.constant 8 : i32
        %ge3A_172 = vector.broadcast %ge3A_171 : i32 to vector<16xi32>
        %ge3A_173 = arith.cmpi sge, %iota3A, %ge3A_172 : vector<16xi32>
        %sub3A_174 = arith.constant 8 : i32
        %sub3A_175 = vector.broadcast %sub3A_174 : i32 to vector<16xi32>
        %sub3A_176 = arith.subi %iota3A, %sub3A_175 : vector<16xi32>
        %and3A_177 = arith.constant 15 : i32
        %and3A_178 = vector.broadcast %and3A_177 : i32 to vector<16xi32>
        %and3A_179 = arith.andi %sub3A_176, %and3A_178 : vector<16xi32>
        %lt3A_180 = arith.constant 0 : i32
        %lt3A_181 = vector.broadcast %lt3A_180 : i32 to vector<16xi32>
        %lt3A_182 = arith.cmpi slt, %and3A_179, %lt3A_181 : vector<16xi32>
        %add3A_183 = arith.constant 16 : i32
        %add3A_184 = vector.broadcast %add3A_183 : i32 to vector<16xi32>
        %add3A_185 = arith.addi %and3A_179, %add3A_184 : vector<16xi32>
        %select_n3A_186 = arith.select %lt3A_182, %add3A_185, %and3A_179 : vector<16xi1>, vector<16xi32>
        %broadcast_in_dim3A_187 = vector.shape_cast %select_n3A_186 : vector<16xi32> to vector<16x1xi32>
        %gather3A_188 = vector.shape_cast %broadcast_in_dim3A_187 : vector<16x1xi32> to vector<16xi32>
        %gather3A_189 = tpu.dynamic_gather %add3A_170[%gather3A_188] in [0] : vector<16xi32>, vector<16xi32> -> vector<16xi32>
        %jit3A_190 = arith.constant 0 : i32
        %broadcast_in_dim3A_191 = vector.broadcast %jit3A_190 : i32 to vector<16xi32>
        %select_n3A_192 = arith.select %ge3A_173, %gather3A_189, %broadcast_in_dim3A_191 : vector<16xi1>, vector<16xi32>
        %add3A_193 = arith.addi %add3A_170, %select_n3A_192 : vector<16xi32>
        %sub3A_194 = arith.subi %add3A_193, %select_n3A_103 : vector<16xi32>
        %add3A_195 = arith.addi %sub3A_194, %scan3A_94 : vector<16xi32>
        %gt3A = arith.cmpi sgt, %get3A_99, %xor3A_20 : vector<16xi32>
        %lt3A_196 = arith.cmpi slt, %add3A_195, %sub3A : vector<16xi32>
        %and3A_197 = arith.andi %eq3A, %lt3A_196 : vector<16xi1>
        %or3A = arith.ori %gt3A, %and3A_197 : vector<16xi1>
        %jit3A_198 = arith.constant 1.000000e+00 : f32
        %jit3A_199 = arith.constant 0.000000e+00 : f32
        %broadcast_in_dim3A_200 = vector.broadcast %jit3A_198 : f32 to vector<16xf32>
        %broadcast_in_dim3A_201 = vector.broadcast %jit3A_199 : f32 to vector<16xf32>
        %select_n3A_202 = arith.select %or3A, %broadcast_in_dim3A_200, %broadcast_in_dim3A_201 : vector<16xi1>, vector<16xf32>
        %mul3A_203 = arith.constant 16 : i32
        %mul3A_204 = arith.muli %scan3A_93, %mul3A_203 : i32
        %swap3A = arith.index_cast %mul3A_204 : i32 to index
        %swap3A_205 = tpu.vector_load %arg5[%swap3A] {strides = array<i32>} : memref<8192xf32, #tpu.memory_space<vmem>>, vector<16xf32>,
        %swap3A_206 = vector.shape_cast %swap3A_205 : vector<16xf32> to vector<16xf32>
        %swap3A_207 = vector.shape_cast %select_n3A_202 : vector<16xf32> to vector<16xf32>
        tpu.vector_store %arg5[%swap3A], %swap3A_207 {strides = array<i32>} : memref<8192xf32, #tpu.memory_space<vmem>>, vector<16xf32>,
        %lt3A_208 = arith.constant 0 : i32
        %lt3A_209 = vector.broadcast %lt3A_208 : i32 to vector<16xi32>
        %lt3A_210 = arith.cmpi slt, %broadcast_in_dim3A_84, %lt3A_209 : vector<16xi32>
        %add3A_211 = arith.constant 16 : i32
        %add3A_212 = vector.broadcast %add3A_211 : i32 to vector<16xi32>
        %add3A_213 = arith.addi %broadcast_in_dim3A_84, %add3A_212 : vector<16xi32>
        %select_n3A_214 = arith.select %lt3A_210, %add3A_213, %broadcast_in_dim3A_84 : vector<16xi1>, vector<16xi32>
        %broadcast_in_dim3A_215 = vector.shape_cast %select_n3A_214 : vector<16xi32> to vector<16x1xi32>
        %gather3A_216 = vector.shape_cast %broadcast_in_dim3A_215 : vector<16x1xi32> to vector<16xi32>
        %gather3A_217 = tpu.dynamic_gather %add3A_193[%gather3A_216] in [0] : vector<16xi32>, vector<16xi32> -> vector<16xi32>
        %add3A_218 = arith.addi %scan3A_94, %gather3A_217 : vector<16xi32>
        scf.yield %add3A_218 : vector<16xi32>
      }
      %scan3A_92 = arith.constant 512 : i32
      "tpu.region"() ({
        %run_scoped3A = tpu.sem_alloc : memref<!tpu.dma_semaphore, #tpu.memory_space<semaphore_mem>>
        %dma_start3A = arith.constant 0 : i32
        %dma_start3A_93 = tpu.memref_slice %arg4[%add3A, %dma_start3A] : memref<4x8192xf32, #tpu.memory_space<hbm>> -> memref<1x8192xf32, #tpu.memory_space<hbm>>
        %dma_start3A_94 = tpu.memref_squeeze %dma_start3A_93 : memref<1x8192xf32, #tpu.memory_space<hbm>> -> memref<8192xf32, #tpu.memory_space<hbm>>
        %dma_start3A_95 = arith.constant 0 : i32
        %dma_start3A_96 = tpu.memref_slice %arg4[%add3A, %dma_start3A_95] : memref<4x8192xf32, #tpu.memory_space<hbm>> -> memref<1x8192xf32, #tpu.memory_space<hbm>>
        %dma_start3A_97 = tpu.memref_squeeze %dma_start3A_96 : memref<1x8192xf32, #tpu.memory_space<hbm>> -> memref<8192xf32, #tpu.memory_space<hbm>>
        tpu.enqueue_dma source(%arg5 : memref<8192xf32, #tpu.memory_space<vmem>>) target(%dma_start3A_97 : memref<8192xf32, #tpu.memory_space<hbm>>) target_semaphore(%run_scoped3A : memref<!tpu.dma_semaphore, #tpu.memory_space<semaphore_mem>>)
        %dma_wait3A = arith.constant 0 : i32
        %dma_wait3A_98 = tpu.memref_slice %arg4[%add3A, %dma_wait3A] : memref<4x8192xf32, #tpu.memory_space<hbm>> -> memref<1x8192xf32, #tpu.memory_space<hbm>>
        %dma_wait3A_99 = tpu.memref_squeeze %dma_wait3A_98 : memref<1x8192xf32, #tpu.memory_space<hbm>> -> memref<8192xf32, #tpu.memory_space<hbm>>
        %dma_wait3A_100 = arith.constant 0 : i32
        %dma_wait3A_101 = tpu.memref_slice %arg4[%add3A, %dma_wait3A_100] : memref<4x8192xf32, #tpu.memory_space<hbm>> -> memref<1x8192xf32, #tpu.memory_space<hbm>>
        %dma_wait3A_102 = tpu.memref_squeeze %dma_wait3A_101 : memref<1x8192xf32, #tpu.memory_space<hbm>> -> memref<8192xf32, #tpu.memory_space<hbm>>
        tpu.wait_dma2 semaphore(%run_scoped3A : memref<!tpu.dma_semaphore, #tpu.memory_space<semaphore_mem>>) src(%arg5 : memref<8192xf32, #tpu.memory_space<vmem>>) dst(%dma_wait3A_102 : memref<8192xf32, #tpu.memory_space<hbm>>)
        tpu.yield
      }) : () -> ()
    } else {
    }
    return
  }
}

module attributes {stable_mosaic.version = 14 : i64} {
  func.func @_matvec_only_body(%arg0: i32, %arg1: i32, %arg2: memref<1x2048x1024xf32, #tpu.memory_space<vmem>>, %arg3: memref<1x1024xf32, #tpu.memory_space<vmem>>, %arg4: memref<1x2048xf32, #tpu.memory_space<vmem>>) attributes {dimension_semantics = [#tpu.dimension_semantics<arbitrary>, #tpu.dimension_semantics<arbitrary>], iteration_bounds = array<i64: 4, 4>, scalar_prefetch = 0 : i64, scratch_operands = 0 : i64, tpu.core_type = #tpu.core_type<tc>, window_params = [{transform_indices = @transform_0, window_bounds = array<i64: 1, 2048, 1024>}, {pipeline_mode = #tpu.pipeline_mode<synchronous>, transform_indices = @transform_1, window_bounds = array<i64: 1, 1024>}, {transform_indices = @transform_2, window_bounds = array<i64: 1, 2048>}]} {
    %get3A = arith.constant 0 : index
    %get3A_0 = arith.constant 0 : index
    %get3A_1 = vector.load %arg3[%get3A, %get3A_0] : memref<1x1024xf32, #tpu.memory_space<vmem>>, vector<1x1024xf32>
    %get3A_2 = arith.constant 0 : index
    %get3A_3 = arith.constant 0 : index
    %get3A_4 = arith.constant 0 : index
    %get3A_5 = vector.load %arg2[%get3A_2, %get3A_3, %get3A_4] : memref<1x2048x1024xf32, #tpu.memory_space<vmem>>, vector<1x2048x1024xf32>
    %get3A_6 = vector.shape_cast %get3A_5 : vector<1x2048x1024xf32> to vector<2048x1024xf32>
    %dot_general3A = arith.constant dense<0.000000e+00> : vector<1x2048xf32>
    %dot_general3A_7 = tpu.matmul %get3A_1, %get3A_6, %dot_general3A {dimension_numbers = #tpu.dot_dimension_numbers<[1], [1], [0], [0], [0, 0, 1, 0], [], []>, transpose_lhs_hint = false} : vector<1x1024xf32>, vector<2048x1024xf32>, vector<1x2048xf32> -> vector<1x2048xf32>
    %swap3A = arith.constant 0 : index
    %swap3A_8 = arith.constant 0 : index
    %swap3A_9 = vector.load %arg4[%swap3A, %swap3A_8] : memref<1x2048xf32, #tpu.memory_space<vmem>>, vector<1x2048xf32>
    tpu.vector_store %arg4[%swap3A, %swap3A_8], %dot_general3A_7 {strides = array<i32>} : memref<1x2048xf32, #tpu.memory_space<vmem>>, vector<1x2048xf32>,
    return
  }
  func.func @transform_0(%arg0: i32, %arg1: i32) -> (i32, i32, i32) {
    %c0_i32 = arith.constant 0 : i32
    %c0_i32_0 = arith.constant 0 : i32
    return %arg0, %arg1, %c0_i32 : i32, i32, i32
  }
  func.func @transform_1(%arg0: i32, %arg1: i32) -> (i32, i32) {
    %c0_i32 = arith.constant 0 : i32
    %c0_i32_0 = arith.constant 0 : i32
    %c0_i32_1 = arith.constant 0 : i32
    return %c0_i32, %c0_i32_0 : i32, i32
  }
  func.func @transform_2(%arg0: i32, %arg1: i32) -> (i32, i32) {
    %mul3A = arith.constant 4 : i32
    %mul3A_0 = arith.muli %arg0, %mul3A : i32
    %add3A = arith.addi %mul3A_0, %arg1 : i32
    %c0_i32 = arith.constant 0 : i32
    %c0_i32_1 = arith.constant 0 : i32
    return %c0_i32, %add3A : i32, i32
  }
}

</mosaic_0001>

<sc_bundles>
// kernel: kernel.4.cloned.1.call-start
scs
__scs_entry_jumppad:
0x0: {  	(pc) =	sbr.rel $0x88, $3  }
0x1: {  	(tag) =	ssettag $0x0;
	lr =	simm.s32 $0x1  }
0x2: {  	[smem:$0x3F9F] =	sst lr;
	_ =	strace $0xD0000000  }
0x3: {  	_ = 	snop  }
0x4: {  	_ = 	snop  }
0x5: {  	_ = 	snop  }
0x6: {  	_ = 	snop  }
0x7: {  	_ = 	snop  }
__scs_overlays_trampoline_lowered:
0x8: {  	[smem:$0x3FAE] =	sst s0  }
0x9: {  	[smem:$0x3FAF] =	sst s1  }
0xa: {  	[smem:$0x3FB0] =	sst s2  }
0xb: {  	[smem:$0x3FB1] =	sst s3  }
0xc: {  	[smem:$0x3FB2] =	sst s4  }
0xd: {  	[smem:$0x3FB3] =	sst s5  }
0xe: {  	[smem:$0x3FB4] =	sst s6  }
0xf: {  	[smem:$0x3FB5] =	sst s7  }
0x10: {  	[smem:$0x3FB6] =	sst s8  }
0x11: {  	[smem:$0x3FB7] =	sst s9;
	s0 =	simm.s32 @!p0 $0x0  }
0x12: {  	s1 =	sld [smem:$0x3F9D];
	s0 =	simm.s32 @p0 $0x1  }
0x13: {  	[smem:$0x3FB8] =	sst s0;
	s0 =	simm.s32 @!p1 $0x0  }
0x14: {  	s2 =	sld [smem:$0x3F9C];
	s0 =	simm.s32 @p1 $0x1  }
0x15: {  	[smem:$0x3FB9] =	sst s0;
	s0 =	simm.s32 @!p2 $0x0  }
0x16: {  	s3 =	sld [smem:$0x3FDB];
	s0 =	simm.s32 @p2 $0x1  }
0x17: {  	s4 =	simm.s32 $0x1BF5;
	[smem:$0x3FBB] =	sst s0  }
0x18: {  	s0 =	sld [smem:$0x3F9E];
	_ =	swait.ge [sflag:s4], $0x0  }
0x19: {  	s7 =	sld [smem:$0x3F9F]  }
0x1a: {  	s8 =	sadd.s32 $0xFFFFE003, lr  }
0x1b: {  	s9 =	sadd.s32 $0xFFFFFEF7, lr;
	s5 =	simm.s32 $0xFFFFFFFF;
	p2 =	slt.u32 s8, $0xFFFFF086  }
0x1c: {  	p1 =	slt.u32 s9, $0xF7A;
	s5 =	simm.s32 @!p2 $0x0  }
0x1d: {  	s5 =	simm.s32 @p1 $0x1;
	p0 =	seq.s32 s7, s2  }
0x1e: {  	s7 =	smul.u32 @!p0 $0xF7A, s2;
	p2 =	seq.s32 @!p0 s5, $0x0  }
0x1f: {  	s9 =	smul.u32 $0xF7A, s1;
	s8 =	simm.s32 @!p0 $0x1BF5;
	p2 =	por !p2, p0  }
0x20: {  	[sflag:s8] =	ssyncset.s32 @!p0 $0xFFFFF086;
	s6 =	sadd.s32 @!p0 s3, s7;
	s7 =	simm.s32 @!p0 $0x108  }
0x21: {  	s3 =	sadd.s32 s3, s9;
	s6 =	sadd.s32 @!p0 $0x88, s6;
	s7 =	simm.s32 @p2 $0x1082  }
0x22: {  	[simem:s7], [sflag:s8] =	dma.local @!p0 [hbm:s6], $0xF7A  }
0x23: {  	s9 =	sor.u32 $0xD0000000, s2;
	s6 =	simm.s32 $0x108;
	_ =	swait.ge @!p0 [sflag:s8], $0x0  }
0x24: {  	s3 =	sadd.s32 $0x88, s3;
	s6 =	simm.s32 @!p1 $0x1082;
	[sflag:s4] =	ssyncset.s32 $0xFFFFF086  }
0x25: {  	[simem:s6], [sflag:s4] =	dma.local [hbm:s3], $0xF7A  }
0x26: {  	[smem:$0x3F9F] =	sst s1;
	(tag) =	ssettag s2;
	_ =	strace s9  }
0x27: {  	s1 =	sld [smem:$0x3FAF]  }
0x28: {  	s2 =	sld [smem:$0x3FB0]  }
0x29: {  	s4 =	sld [smem:$0x3FB2]  }
0x2a: {  	p0 =	seq.s32 s5, $0x0;
	s5 =	sld [smem:$0x3FB3]  }
0x2b: {  	s6 =	sld [smem:$0x3FB4]  }
0x2c: {  	s7 =	sld [smem:$0x3FB5]  }
0x2d: {  	s3 =	simm.s32 $0x108;
	s8 =	sld [smem:$0x3FB6]  }
0x2e: {  	s3 =	simm.s32 @!p0 $0x1082;
	s9 =	sld [smem:$0x3FB7]  }
0x2f: {  	lr =	sadd.s32 s0, s3;
	s0 =	sld [smem:$0x3FAE]  }
0x30: {  	s3 =	sld [smem:$0x3FB1]  }
0x31: {  	[smem:$0x3FBA] =	sst s10  }
0x32: {  	s10 =	sld [smem:$0x3FB8];
	_ =	sdelay $0x3  }
0x33: {  	p0 =	seq.s32 s10, $0x1;
	s10 =	sld [smem:$0x3FBA];
	_ =	sdelay $0x3  }
0x34: {  	[smem:$0x3FBA] =	sst s10  }
0x35: {  	s10 =	sld [smem:$0x3FB9];
	_ =	sdelay $0x3  }
0x36: {  	p1 =	seq.s32 s10, $0x1;
	s10 =	sld [smem:$0x3FBA];
	_ =	sdelay $0x3  }
0x37: {  	[smem:$0x3FBA] =	sst s10  }
0x38: {  	s10 =	sld [smem:$0x3FBB]  }
0x39: {  	_ = 	snop;
	(pc) =	sbr.ind lr, $3  }
0x3a: {  	_ = 	snop  }
0x3b: {  	_ = 	snop  }
0x3c: {  	p2 =	seq.s32 s10, $0x1;
	s10 =	sld [smem:$0x3FBA]  }
0x3d: {  	_ =	shalt  }
0x3e: {  	_ =	shalt  }
0x3f: {  	_ =	shalt  }
0x40: {  	_ =	shalt  }
0x41: {  	_ =	shalt  }
0x42: {  	_ =	shalt  }
0x43: {  	_ =	shalt  }
0x44: {  	_ =	shalt  }
0x45: {  	_ =	shalt  }
0x46: {  	_ =	shalt  }
0x47: {  	_ =	shalt  }
0x48: {  	_ =	shalt  }
0x49: {  	_ =	shalt  }
0x4a: {  	_ =	shalt  }
0x4b: {  	_ =	shalt  }
0x4c: {  	_ =	shalt  }
0x4d: {  	_ =	shalt  }
0x4e: {  	_ =	shalt  }
0x4f: {  	_ =	shalt  }
0x50: {  	_ =	shalt  }
0x51: {  	_ =	shalt  }
0x52: {  	_ =	shalt  }
0x53: {  	_ =	shalt  }
0x54: {  	_ =	shalt  }
0x55: {  	_ =	shalt  }
0x56: {  	_ =	shalt  }
0x57: {  	_ =	shalt  }
0x58: {  	_ =	shalt  }
0x59: {  	_ =	shalt  }
0x5a: {  	_ =	shalt  }
0x5b: {  	_ =	shalt  }
0x5c: {  	_ =	shalt  }
0x5d: {  	_ =	shalt  }
0x5e: {  	_ =	shalt  }
0x5f: {  	_ =	shalt  }
0x60: {  	_ =	shalt  }
0x61: {  	_ =	shalt  }
0x62: {  	_ =	shalt  }
0x63: {  	_ =	shalt  }
0x64: {  	_ =	shalt  }
0x65: {  	_ =	shalt  }
0x66: {  	_ =	shalt  }
0x67: {  	_ =	shalt  }
0x68: {  	_ =	shalt  }
0x69: {  	_ =	shalt  }
0x6a: {  	_ =	shalt  }
0x6b: {  	_ =	shalt  }
0x6c: {  	_ =	shalt  }
0x6d: {  	_ =	shalt  }
0x6e: {  	_ =	shalt  }
0x6f: {  	_ =	shalt  }
0x70: {  	_ =	shalt  }
0x71: {  	_ =	shalt  }
0x72: {  	_ =	shalt  }
0x73: {  	_ =	shalt  }
0x74: {  	_ =	shalt  }
0x75: {  	_ =	shalt  }
0x76: {  	_ =	shalt  }
0x77: {  	_ =	shalt  }
0x78: {  	_ =	shalt  }
0x79: {  	_ =	shalt  }
0x7a: {  	_ =	shalt  }
0x7b: {  	_ =	shalt  }
0x7c: {  	_ =	shalt  }
0x7d: {  	_ =	shalt  }
0x7e: {  	_ =	shalt  }
0x7f: {  	_ =	shalt  }
0x80: {  	_ =	shalt  }
0x81: {  	_ =	shalt  }
0x82: {  	_ =	shalt  }
0x83: {  	_ =	shalt  }
0x84: {  	_ =	shalt  }
0x85: {  	_ =	shalt  }
0x86: {  	_ =	shalt  }
0x87: {  	_ =	shalt  }
.Lfunc_end0:
.L_simem_size_0:
called_computation_lowered:
.L_overlay_start_0:
0x88: {  	s2 =	sld [smem:$0x3FD9]  }
0x89: {  	s3 =	sld [smem:$0x3FFE];
	_ =	sdelay $0x1  }
0x8a: {  	s1 =	srdreg.scid  }
0x8b: {  	s0 =	sand.u32 $0x1, s1  }
0x8c: {  	s14 =	sshll.u32 s0, $0xA;
	s2 =	sadd.s32 s3, s2  }
0x8d: {  	s2 =	sadd.s32 s2, s14  }
0x8e: {  	[smem:$0x3FC6] =	sst s2  }
0x8f: {  	_ = 	snop  }
0x90: {  	s2 =	sld [smem:$0x3FD0];
	_ =	sdelay $0x2  }
0x91: {  	s15 =	simm.s32 $0xA;
	s4 =	simm.s32 $0x10  }
0x92: {  	[smem:s4], [sflag:s15] =	dma.local [hbm:s2], $0x1  }
0x93: {  	_ =	swait.eq [sflag:s15], $0x1  }
0x94: {  	[sflag:s15] =	ssyncset.done $0x0  }
0x95: {  	[sflag:s15] =	ssyncadd.s32 $0xFFFFFFFF  }
0x96: {  	s16 =	sld [smem:$0x10];
	(tm) =	ssettm $0x1  }
0x97: {  	s17 =	sld [smem:$0x3FFB];
	_ =	sdelay $0x3  }
0x98: {  	_ =	strace s17  }
0x99: {  	s3 =	sld [smem:$0x3FFC];
	_ =	sdelay $0x3  }
0x9a: {  	_ =	strace s3  }
0x9b: {  	s3 =	sld [smem:$0x3FFD];
	_ =	sdelay $0x3  }
0x9c: {  	_ =	strace s3  }
0x9d: {  	_ =	strace $0x8FFFFFFF  }
0x9e: {  	s18 =	sld [smem:$0x3FDB];
	_ =	sdelay $0x1  }
0x9f: {  	s19 =	simm.s32 $_scs_section_size  }
0xa0: {  	s5 =	simm.s32 $_size__tile_overlayer_lowered;
	s6 =	simm.s32 $_tile_overlayer_lowered  }
0xa1: {  	s22 =	simm.s32 $0x1BFF;
	s21 =	sshll.u32 s6, $0x1;
	s3 =	sadd.s32 s19, s18  }
0xa2: {  	s7 =	simm.s32 $0x0;
	s20 =	sshll.u32 s5, $0x1;
	s5 =	sadd.s32 s21, s3  }
0xa3: {  	[timem:s7], [sflag:s22] =	dma.local [hbm:s5], s20  }
0xa4: {  	_ =	swait.ge [sflag:s22], s20  }
0xa5: {  	s4 =	ssub.s32 $0x0, s20;
	[sflag:s22] =	ssyncset.done $0x0  }
0xa6: {  	[sflag:s22] =	ssyncadd.s32 s4;
	_ =	sdelay $0x1  }
0xa7: {  	s23 =	simm.s32 $0x1B8B  }
0xa8: {  	_ =	swait.ge [sflag:s23], $0x1  }
0xa9: {  	[sflag:s23] =	ssyncset.done $0x0  }
0xaa: {  	s25 =	simm.s32 $0x1B8E;
	s24 =	sld [smem:$0x3FFE];
	[sflag:s23] =	ssyncadd.s32 $0xFFFFFFFF  }
0xab: {  	s26 =	simm.s32 $execute0_lowered;
	[smem:$0x3FD2] =	sst s25  }
0xac: {  	s5 =	sshll.u32 s26, $0x1;
	_ =	strace $0x80000046;
	[dreg:$0x1] =	wrdreg $0xFFFFFFFF  }
0xad: {  	s28 =	simm.s32 $_size_execute0_lowered;
	s3 =	sadd.s32 s3, s5;
	[dreg:$0x0] =	wrdreg $0x0  }
0xae: {  	s5 =	sshll.u32 s28, $0x1;
	[dreg:$0x2] =	wrdreg s3  }
0xaf: {  	[dreg:$0x3] =	wrdreg s5  }
0xb0: {  	[dreg:$0x4] =	wrdreg $0xC0  }
0xb1: {  	_ =	task [dreg:s7], $0x5FFFF  }
0xb2: {  	[dreg:$0x1] =	wrdreg $0xFFFFFFFF  }
0xb3: {  	[dreg:$0x0] =	wrdreg $0x60  }
0xb4: {  	[dreg:$0x2] =	wrdreg s24  }
0xb5: {  	[dreg:$0x3] =	wrdreg s16  }
0xb6: {  	[dreg:$0x4] =	wrdreg $0x9  }
0xb7: {  	_ =	task.clear_ibuf [dreg:s7], $0x5FFFF;
	_ =	strace $0x90000046  }
0xb8: {  	s29 =	simm.s32 $0x9;
	_ =	strace $0x80000048  }
0xb9: {  	_ =	swait.ge [sflag:s29], $0x1  }
0xba: {  	[sflag:s29] =	ssyncadd.s32 $0xFFFFFFFF  }
0xbb: {  	_ =	strace $0x90000048  }
0xbc: {  	_ =	sfence  }
0xbd: {  	s30 =	sld [smem:$0x0];
	_ =	sdelay $0x2  }
0xbe: {  	s31 =	sshll.u32 s1, $0xD;
	s1 =	sshrl.u32 s1, $0x2  }
0xbf: {  	s3 =	sand.u32 $0x4000, s31;
	s1 =	sadd.s32 s1, s30  }
0xc0: {  	s0 =	sor.u32 s3, s0;
	s1 =	sshll.u32 s1, $0x11  }
0xc1: {  	s0 =	sor.u32 s1, s0  }
0xc2: {  	s0 =	sadd.s32 $0x8F2B, s0  }
0xc3: {  	[sflag:s0] =	ssyncadd.remote.s32 $0x1  }
0xc4: {  	_ =	sfence.sel $0xFFFF  }
0xc5: {  	[dreg:$0x0] =	wrdreg $0xFFFFFFFF;
	(pc) =	sbr.abs _section_cstart, $3  }
0xc6: {  	[dreg:$0x1] =	wrdreg $0xFFFFFFFF  }
0xc7: {  	_ =	task.clear_ibuf [dreg:s7], $0x2FFFF;
	_ =	strace $0x9FFFFFFF  }
0xc8: {  	(tm) =	ssettm $0x7FFFFFFF  }
0xc9: {  	_ =	shalt  }
tec
execute0_lowered:
.L_overlay_start_1:
0x0: {  	(tag) =	ssettag $0x1  }
0x1: {  	v0 =	vimm.s32 $0xFEDCBA98;
	v1 =	vimm.s32 $0x76543210;
	v2 =	vimm.s32 $0xBA98FEDC  }
0x2: {  	v3 =	vimm.s32 $0x32107654;
	v4 =	vimm.s32 $0xDCFE98BA;
	v5 =	vimm.s32 $0x54761032  }
0x3: {  	v6 =	vimm.s32 $0xEFCDAB89;
	v7 =	vimm.s32 $0x67452301;
	v8 =	vimm.s32 $0xBA987654  }
0x4: {  	v9 =	vimm.s32 $0x3210FEDC;
	vm0 =	vmmov $0x3;
	vm1 =	vmmov $0xf  }
0x5: {  	v0 =	vunpack.c.l.s4.s8 v0;
	v1 =	vunpack.c.l.s4.s8 v1;
	v2 =	vunpack.c.l.s4.s8 v2  }
0x6: {  	v3 =	vunpack.c.l.s4.s8 v3;
	v4 =	vunpack.c.l.s4.s8 v4;
	v5 =	vunpack.c.l.s4.s8 v5  }
0x7: {  	v6 =	vunpack.c.l.s4.s8 v6;
	v7 =	vunpack.c.l.s4.s8 v7;
	v8 =	vunpack.c.l.s4.s8 v8  }
0x8: {  	v9 =	vunpack.c.l.s4.s8 v9;
	v0 =	vunpack.c.0.s8.s32 v0;
	v1 =	vunpack.c.0.s8.s32 v1  }
0x9: {  	s3 =	rddreg [dreg:$0x0];
	v2 =	vunpack.c.0.s8.s32 v2;
	v3 =	vunpack.c.0.s8.s32 v3;
	v4 =	vunpack.c.0.s8.s32 v4  }
0xa: {  	s5 =	rddreg [dreg:$0x1];
	v5 =	vunpack.c.0.s8.s32 v5;
	v6 =	vunpack.c.0.s8.s32 v6;
	v0 =	vand.u32 $0xF, v0  }
0xb: {  	s0 =	rddreg [dreg:$0x2];
	s4 =	srdreg.scid;
	s2 =	simm.s32 $0x0;
	v7 =	vunpack.c.0.s8.s32 v7;
	v8 =	vunpack.c.0.s8.s32 v8;
	v0 =	vcombine.low v0, v1  }
0xc: {  	s1 =	stileid.u32;
	s9 =	simm.s32 $0x80;
	s10 =	simm.s32 $0x200;
	v9 =	vunpack.c.0.s8.s32 v9;
	v1 =	vcombine.low v3, v2;
	v2 =	vcombine.low v5, v4  }
0xd: {  	s11 =	simm.s32 $0x2000;
	s12 =	simm.s32 $0x80000000;
	s13 =	simm.s32 $0x0;
	v3 =	vcombine.low v7, v6;
	v4 =	vimm.s32 $0xEDCBA987;
	v5 =	vimm.s32 $0x6543210F  }
0xe: {  	s4 =	sand.u32 $0x1, s4;
	[smem:$0x7FF] =	sst s2;
	s6 =	sshll.u32 s1, $0x5;
	v6 =	vimm.s32 $0xDCBA9876;
	v7 =	vimm.s32 $0x543210FE;
	v4 =	vunpack.c.l.s4.s8 v4  }
.Ltmp0:
0xf: {  	p0 =	sgt.u32 s1, $0x1;
	s7 =	sshll.u32 s4, $0x4;
	v5 =	vunpack.c.l.s4.s8 v5;
	v6 =	vunpack.c.l.s4.s8 v6;
	v7 =	vunpack.c.l.s4.s8 v7;
	(pc) =	sbr.rel .LBB2_1-.Ltmp0, $4  }
0x10: {  	vm2 =	vmmov $0xff;
	_ =	strace $0x80000047;
	s4 =	ssub.s32 $0x2, s4;
	s6 =	sor.u32 s7, s6;
	v8 =	vcombine.low v9, v8;
	v10 =	vunpack.c.0.s8.s32 v4  }
0x11: {  	s8 =	sshrl.u32 s4, $0x1;
	s7 =	sadd.s32 s6, s3;
	s3 =	sadd.s32 $0x1400, s3;
	v5 =	vunpack.c.0.s8.s32 v5;
	v11 =	vunpack.c.0.s8.s32 v6;
	v7 =	vunpack.c.0.s8.s32 v7  }
0x12: {  	s8 =	ssub.s32 s4, s8;
	s5 =	sadd.s32 s5, s6;
	s4 =	sadd.s32 $0x400, s7;
	v9 =	vimm.f32 $0.0e+00;
	v4 =	vimm.s32 $0x0;
	v6 =	vlaneseq.u32  }
0x13: {  	s6 =	smax.u32 s8, $0x1;
	s7 =	simm.s32 $0x4000;
	s8 =	simm.s32 $0x1;
	v5 =	vcombine.low v5, v10;
	v7 =	vcombine.low v7, v11;
	v10 =	vimm.s32 $0xF  }
.LBB2_13:
0x14: {  	s13 =	sadd.s32 $0x1, s13  }
0x15: {  	p1 =	sne.s32 s13, s6  }
.Ltmp1:
0x16: {  	_ = 	snop;
	(pc) =	sbr.rel @!p1 .LBB2_14-.Ltmp1, $1  }
0x17: {  	_ =	sdelay $0x3  }
.LBB2_1:
.Ltmp2:
0x18: {  	(pc) =	sbr.rel @p0 .LBB2_13-.Ltmp2, $4  }
0x19: {  	[tilespmem:s7], [sflag:$0x1] =	stream.linear.gather [hbm4b:s3+s2], $0x1, $0x38;
	[tilespmem:$0x4080] =	vst v63  }
0x1a: {  	_ =	swait.ge [sflag:s8], $0x1  }
0x1b: {  	[sflag:s8] =	ssyncset.done $0x0  }
0x1c: {  	[sflag:s8] =	ssyncadd.s32 $0xFFFFFFFF  }
0x1d: {  	v11 =	vld [tilespmem:$0x4000];
	[tilespmem:s11], [sflag:$0x1] =	stream.strided.gather [hbm4b:s4+s9], $0x2000, s10, s9, $0x38  }
0x1e: {  	_ =	swait.ge [sflag:s8], $0x2000  }
0x1f: {  	[sflag:s8] =	ssyncset.done $0x0  }
0x20: {  	s14 =	simm.s32 $0x0;
	s15 =	simm.s32 $0x40;
	[sflag:s8] =	ssyncadd.s32 $0xFFFFE000  }
.LBB2_3:
0x21: {  	p1 =	seq.s32 s15, $0x7FC0;
	v12 =	vld [tilespmem:s14+$0x2000];
	_ =	sdelay $0x3  }
.Ltmp3:
0x22: {  	(pc) =	sbr.rel @!p1 .LBB2_3-.Ltmp3, $4  }
0x23: {  	v13 =	vshra.s32 v12, $0x1F  }
0x24: {  	v13 =	vand.u32 $0x7FFFFFFF, v13  }
0x25: {  	v12 =	vxor.u32 v12, v13  }
0x26: {  	[tilespmem:s14+$0x2000] =	vst v12;
	s14 =	sshra.s32 s15, $0x2;
	s15 =	sadd.s32 $0x40, s15  }
0x27: {  	v12 =	vld [tilespmem:s14+$0x2000];
	_ =	sdelay $0x4  }
0x28: {  	v13 =	vshra.s32 v12, $0x1F  }
0x29: {  	v13 =	vand.u32 $0x7FFFFFFF, v13  }
0x2a: {  	v12 =	vxor.u32 v12, v13  }
0x2b: {  	v11 =	vbroadcast v11, $0x0;
	v13 =	vimm.s32 $0x0;
	[tilespmem:s14+$0x2000] =	vst v12;
	s14 =	simm.s32 $0x0;
	v12 =	vimm.s32 $0x0  }
.LBB2_5:
0x2c: {  	s17 =	simm.s32 $0x0  }
0x2d: {  	v16 =	vld [tilespmem:s17+$0x2070]  }
0x2e: {  	v17 =	vld [tilespmem:s17+$0x2000];
	_ =	sdelay $0x1  }
0x2f: {  	s15 =	sshrl.u32 s12, s14;
	v18 =	vld [tilespmem:s17+$0x2010]  }
0x30: {  	v23 =	vimm.s32 $0x0;
	v22 =	vimm.s32 $0x0;
	v14 =	vor.u32 s15, v12;
	v26 =	vld [tilespmem:s17+$0x2020]  }
0x31: {  	v21 =	vimm.s32 $0x0;
	v19 =	vimm.s32 $0x0;
	v24 =	vld [tilespmem:s17+$0x2030];
	v15 =	vxor.u32 v11, v14  }
0x32: {  	v20 =	vimm.s32 $0x0;
	v27 =	vld [tilespmem:s17+$0x2040];
	vm3 =	vge.s32 v16, v15;
	vm4 =	vge.s32 v17, v15  }
0x33: {  	v25 =	vld [tilespmem:s17+$0x2050];
	v17 =	vimm.s32 $0x0;
	v16 =	vsel vm3, $0x1, v4;
	v29 =	vsel vm4, $0x1, v4  }
0x34: {  	s16 =	simm.s32 $0x400;
	s15 =	simm.s32 $0x80;
	v28 =	vld [tilespmem:s17+$0x2060];
	vm3 =	vge.s32 v18, v15;
	v18 =	vimm.s32 $0x0;
	v16 =	vadd.s32 v16, v13  }
.LBB2_6:
0x35: {  	p1 =	sne.s32 s16, $0x7E00;
	v30 =	vld [tilespmem:s15+$0x2070];
	v23 =	vadd.s32 v29, v23;
	v29 =	vsel vm3, $0x1, v4;
	vm3 =	vge.s32 v26, v15  }
0x36: {  	v31 =	vld [tilespmem:s15+$0x2000];
	v22 =	vadd.s32 v29, v22;
	v26 =	vsel vm3, $0x1, v4;
	vm3 =	vge.s32 v24, v15  }
0x37: {  	v32 =	vld [tilespmem:s15+$0x2010];
	v21 =	vadd.s32 v26, v21;
	v24 =	vsel vm3, $0x1, v4;
	vm3 =	vge.s32 v27, v15  }
.Ltmp4:
0x38: {  	v26 =	vld [tilespmem:s15+$0x2020];
	v19 =	vadd.s32 v24, v19;
	v27 =	vsel vm3, $0x1, v4;
	vm3 =	vge.s32 v25, v15;
	(pc) =	sbr.rel @p1 .LBB2_6-.Ltmp4, $4  }
0x39: {  	v24 =	vld [tilespmem:s15+$0x2030];
	v20 =	vadd.s32 v27, v20;
	v25 =	vsel vm3, $0x1, v4;
	vm3 =	vge.s32 v28, v15  }
0x3a: {  	v27 =	vld [tilespmem:s15+$0x2040];
	vm4 =	vge.s32 v30, v15;
	v18 =	vadd.s32 v25, v18;
	v28 =	vsel vm3, $0x1, v4  }
0x3b: {  	vm3 =	vge.s32 v31, v15;
	v25 =	vld [tilespmem:s15+$0x2050];
	v30 =	vsel vm4, $0x1, v4;
	v17 =	vadd.s32 v28, v17  }
0x3c: {  	v29 =	vsel vm3, $0x1, v4;
	vm3 =	vge.s32 v32, v15;
	v28 =	vld [tilespmem:s15+$0x2060];
	s15 =	sshra.s32 s16, $0x2;
	s16 =	sadd.s32 $0x200, s16;
	v16 =	vadd.s32 v30, v16  }
0x3d: {  	v30 =	vld [tilespmem:s15+$0x2070];
	v31 =	vsel vm3, $0x1, v4  }
0x3e: {  	v23 =	vadd.s32 v29, v23;
	vm3 =	vge.s32 v26, v15;
	v45 =	vld [tilespmem:s15+$0x2000];
	v22 =	vadd.s32 v31, v22  }
0x3f: {  	v47 =	vld [tilespmem:s15+$0x2010];
	v46 =	vsel vm3, $0x1, v4;
	vm3 =	vge.s32 v24, v15;
	vm4 =	vge.s32 v27, v15  }
0x40: {  	v49 =	vld [tilespmem:s15+$0x2020];
	v21 =	vadd.s32 v46, v21;
	v48 =	vsel vm3, $0x1, v4;
	v50 =	vsel vm4, $0x1, v4  }
0x41: {  	v51 =	vld [tilespmem:s15+$0x2030];
	v19 =	vadd.s32 v48, v19;
	vm3 =	vge.s32 v25, v15;
	v20 =	vadd.s32 v50, v20  }
0x42: {  	v53 =	vld [tilespmem:s15+$0x2040];
	v52 =	vsel vm3, $0x1, v4;
	vm3 =	vge.s32 v28, v15;
	vm15 =	vge.s32 v30, v15  }
0x43: {  	v18 =	vadd.s32 v52, v18;
	v54 =	vsel vm3, $0x1, v4;
	vm3 =	vge.s32 v45, v15  }
0x44: {  	v55 =	vld [tilespmem:s15+$0x2050];
	v17 =	vadd.s32 v54, v17;
	v56 =	vsel vm3, $0x1, v4;
	vm3 =	vge.s32 v47, v15  }
0x45: {  	v57 =	vld [tilespmem:s15+$0x2060];
	v23 =	vadd.s32 v56, v23;
	v58 =	vsel vm3, $0x1, v4;
	vm3 =	vge.s32 v49, v15  }
0x46: {  	v22 =	vadd.s32 v58, v22;
	v59 =	vsel vm3, $0x1, v4;
	vm3 =	vge.s32 v51, v15  }
0x47: {  	v21 =	vadd.s32 v59, v21;
	v25 =	vsel vm3, $0x1, v4;
	vm3 =	vge.s32 v53, v15  }
0x48: {  	v22 =	vadd.s32 v23, v22;
	v19 =	vadd.s32 v25, v19;
	v60 =	vsel vm3, $0x1, v4  }
0x49: {  	vm3 =	vge.s32 v55, v15;
	v21 =	vadd.s32 v21, v22;
	v20 =	vadd.s32 v60, v20  }
0x4a: {  	v61 =	vsel vm3, $0x1, v4;
	vm3 =	vge.s32 v57, v15;
	v15 =	vadd.s32 v19, v21  }
0x4b: {  	v18 =	vadd.s32 v61, v18;
	v62 =	vsel vm3, $0x1, v4;
	v15 =	vadd.s32 v20, v15  }
0x4c: {  	v63 =	vsel vm15, $0x1, v4;
	v17 =	vadd.s32 v62, v17;
	v15 =	vadd.s32 v18, v15  }
0x4d: {  	v16 =	vadd.s32 v63, v16;
	v15 =	vadd.s32 v17, v15  }
0x4e: {  	v15 =	vadd.s32 v16, v15  }
0x4f: {  	v16 =	vperm.xlane v15, v0;
	_ =	sdelay $0x1  }
0x50: {  	v15 =	vadd.s32 v15, v16  }
0x51: {  	v16 =	vperm.xlane v15, v1;
	_ =	sdelay $0x1  }
0x52: {  	v15 =	vadd.s32 v16, v15  }
0x53: {  	v16 =	vperm.xlane v15, v2  }
0x54: {  	s14 =	sadd.s32 $0x1, s14  }
0x55: {  	p1 =	sne.s32 s14, $0x20;
	v15 =	vadd.s32 v16, v15  }
.Ltmp5:
0x56: {  	v16 =	vperm.xlane v15, v3;
	(pc) =	sbr.rel @p1 .LBB2_5-.Ltmp5, $4  }
0x57: {  	_ = 	snop  }
0x58: {  	v15 =	vadd.s32 v16, v15  }
0x59: {  	vm3 =	vgt.s32 v15, $0x3FF  }
0x5a: {  	v12 =	vsel vm3, v14, v12  }
0x5b: {  	s15 =	simm.s32 $0x0  }
0x5c: {  	v13 =	vld [tilespmem:s15+$0x2000]  }
0x5d: {  	v11 =	vxor.u32 v11, v12;
	v12 =	vimm.s32 $0x0;
	s14 =	simm.s32 $0x40  }
.LBB2_9:
0x5e: {  	p1 =	sne.s32 s14, $0x7FC0  }
.Ltmp6:
0x5f: {  	_ = 	snop;
	(pc) =	sbr.rel @p1 .LBB2_9-.Ltmp6, $4  }
0x60: {  	_ = 	snop  }
0x61: {  	s15 =	sshra.s32 s14, $0x2;
	s14 =	sadd.s32 $0x40, s14;
	vm3 =	vgt.s32 v13, v11  }
0x62: {  	v13 =	vld [tilespmem:s15+$0x2000];
	v14 =	vsel vm3, $0x1, v4  }
0x63: {  	v12 =	vadd.s32 v14, v12  }
0x64: {  	_ =	sdelay $0x1  }
0x65: {  	s14 =	simm.s32 $0x0  }
0x66: {  	v17 =	vld [tilespmem:s14+$0x2000];
	vm3 =	vgt.s32 v13, v11  }
0x67: {  	v13 =	vsel vm3, $0x1, v4  }
0x68: {  	v12 =	vadd.s32 v13, v12  }
0x69: {  	v13 =	vperm.xlane v12, v0;
	_ =	sdelay $0x1  }
0x6a: {  	vm4 =	veq.s32 v17, v11;
	v12 =	vadd.s32 v12, v13  }
0x6b: {  	v15 =	vsel vm4, $0x1, v4;
	v13 =	vperm.xlane v12, v1  }
0x6c: {  	s15 =	simm.s32 $0x10;
	v16 =	vperm.xlane v15, v5  }
0x6d: {  	v14 =	vld [tilespmem:s15+$0x2000];
	vm3 =	veq.s32 v6, $0x0;
	v12 =	vadd.s32 v13, v12  }
0x6e: {  	v16 =	vsel vm3, $0x0, v16;
	v13 =	vperm.xlane v12, v2  }
0x6f: {  	v15 =	vadd.s32 v15, v16  }
0x70: {  	v16 =	vperm.xlane v15, v7;
	v12 =	vadd.s32 v13, v12  }
0x71: {  	v18 =	vperm.xlane v12, v3  }
0x72: {  	s16 =	simm.s32 $0x20;
	vm5 =	veq.s32 v14, v11;
	vm4 =	vmmov vm4;
	v16 =	vsel vm0, $0x0, v16  }
0x73: {  	v13 =	vld [tilespmem:s16+$0x2000];
	v15 =	vadd.s32 v16, v15;
	v12 =	vadd.s32 v12, v18;
	v18 =	vsel vm5, $0x1, v4  }
0x74: {  	vm4 =	vmmov vm4;
	v20 =	vperm.xlane v15, v8;
	v19 =	vperm.xlane v18, v5  }
0x75: {  	v23 =	vsel vm4, $0xFFFFFFFF, v4;
	vm7 =	vmmov vm4  }
0x76: {  	v16 =	vimm.s32 $0x0;
	v20 =	vsel vm1, $0x0, v20;
	v19 =	vsel vm3, $0x0, v19  }
0x77: {  	vm5 =	vmmov vm5;
	v18 =	vadd.s32 v18, v19;
	v19 =	vadd.s32 v20, v15  }
0x78: {  	vm6 =	veq.s32 v13, v11;
	v20 =	vperm.xlane v18, v7;
	v22 =	vperm.xlane v19, v0  }
0x79: {  	s17 =	simm.s32 $0x30;
	v12 =	vsub.s32 $0x400, v12;
	vm5 =	vmmov vm5;
	v21 =	vsel vm6, $0x1, v4  }
0x7a: {  	vm4 =	vmmov vm6;
	v15 =	vld [tilespmem:s17+$0x2000];
	v20 =	vsel vm0, $0x0, v20;
	v22 =	vsel vm2, $0x0, v22  }
0x7b: {  	v18 =	vadd.s32 v20, v18;
	v19 =	vadd.s32 v22, v19;
	v20 =	vadd.s32 v23, v16  }
0x7c: {  	v22 =	vperm.xlane v21, v5;
	v23 =	vperm.xlane v18, v8;
	v20 =	vadd.s32 v19, v20  }
0x7d: {  	vm6 =	vgt.s32 v17, v11;
	vm8 =	vlt.s32 v20, v12;
	v20 =	vperm.xlane v19, v10  }
0x7e: {  	v17 =	vsel vm3, $0x0, v22;
	v22 =	vsel vm1, $0x0, v23;
	vm8 =	vmand vm7, vm8  }
0x7f: {  	vm7 =	veq.s32 v15, v11;
	v19 =	vadd.s32 v21, v17;
	v18 =	vadd.s32 v22, v18  }
0x80: {  	s18 =	simm.s32 $0x100;
	v17 =	vsel vm7, $0x1, v4;
	v22 =	vperm.xlane v19, v7;
	v21 =	vperm.xlane v18, v0  }
.LBB2_11:
0x81: {  	v23 =	vsel vm5, $0xFFFFFFFF, v4;
	vm6 =	vmor vm6, vm8;
	v16 =	vadd.s32 v16, v20  }
0x82: {  	s19 =	sshra.s32 s18, $0x2;
	p1 =	sne.s32 s18, $0x7FC0;
	s18 =	sadd.s32 $0x40, s18;
	vm8 =	vmmov vm5;
	vm5 =	vmmov vm4;
	vm4 =	vmmov vm7  }
0x83: {  	v24 =	vld [tilespmem:s19+$0x2000];
	v20 =	vsel vm0, $0x0, v22;
	v21 =	vsel vm2, $0x0, v21;
	v22 =	vsel vm6, $0x3F800000, v9  }
0x84: {  	v25 =	vadd.s32 v20, v19;
	v18 =	vadd.s32 v21, v18;
	v19 =	vadd.s32 v23, v16;
	[tilespmem:s14+$0x0] =	vst v22;
	s14 =	smov.u32 s15;
	s15 =	smov.u32 s16;
	s16 =	smov.u32 s17  }
.Ltmp7:
0x85: {  	v21 =	vperm.xlane v17, v5;
	s17 =	smov.u32 s19;
	v22 =	vperm.xlane v25, v8;
	v19 =	vadd.s32 v18, v19;
	(pc) =	sbr.rel @p1 .LBB2_11-.Ltmp7, $4  }
0x86: {  	vm6 =	vgt.s32 v14, v11;
	v14 =	vmovc v13;
	v20 =	vperm.xlane v18, v10;
	vm7 =	vlt.s32 v19, v12  }
0x87: {  	v13 =	vmovc v15;
	v18 =	vsel vm3, $0x0, v21;
	v21 =	vsel vm1, $0x0, v22;
	vm8 =	vmand vm8, vm7  }
0x88: {  	v19 =	vadd.s32 v17, v18;
	vm7 =	veq.s32 v24, v11;
	v18 =	vadd.s32 v21, v25;
	v15 =	vmovc v24  }
0x89: {  	v22 =	vperm.xlane v19, v7;
	v17 =	vsel vm7, $0x1, v4;
	v21 =	vperm.xlane v18, v0  }
0x8a: {  	v16 =	vadd.s32 v16, v20;
	v49 =	vperm.xlane v17, v5;
	v23 =	vsel vm5, $0xFFFFFFFF, v4  }
0x8b: {  	vm3 =	vmor vm6, vm8;
	vm15 =	vmmov vm5;
	vm9 =	veq.s32 v6, $0x0  }
0x8c: {  	vm4 =	vmmov vm4;
	v22 =	vsel vm0, $0x0, v22;
	v20 =	vsel vm9, $0x0, v49  }
0x8d: {  	vm10 =	vmmov vm7;
	v19 =	vadd.s32 v22, v19;
	v50 =	vadd.s32 v17, v20  }
0x8e: {  	v51 =	vsel vm2, $0x0, v21;
	v52 =	vperm.xlane v19, v8;
	v53 =	vperm.xlane v50, v7  }
0x8f: {  	v54 =	vsel vm3, $0x3F800000, v9;
	v23 =	vadd.s32 v23, v16;
	vm3 =	vgt.s32 v14, v11  }
0x90: {  	v57 =	vsel vm4, $0xFFFFFFFF, v4;
	v21 =	vsel vm1, $0x0, v52;
	v22 =	vsel vm0, $0x0, v53  }
0x91: {  	vm12 =	vmmov vm10;
	v55 =	vadd.s32 v21, v19;
	v17 =	vadd.s32 v22, v50  }
0x92: {  	v18 =	vadd.s32 v51, v18;
	v19 =	vperm.xlane v55, v0;
	v56 =	vperm.xlane v17, v8  }
0x93: {  	vm4 =	vmmov vm4;
	v61 =	vsel vm12, $0xFFFFFFFF, v4;
	v23 =	vadd.s32 v18, v23  }
0x94: {  	v18 =	vperm.xlane v18, v10;
	v19 =	vsel vm2, $0x0, v19;
	v21 =	vsel vm1, $0x0, v56  }
0x95: {  	vm11 =	vlt.s32 v23, v12;
	v14 =	vadd.s32 v19, v55;
	v17 =	vadd.s32 v21, v17  }
0x96: {  	vm5 =	vmand vm15, vm11;
	v58 =	vperm.xlane v14, v10;
	v59 =	vperm.xlane v17, v0  }
0x97: {  	v16 =	vadd.s32 v16, v18;
	vm3 =	vmor vm3, vm5;
	vm5 =	vmmov vm12  }
0x98: {  	v22 =	vadd.s32 v57, v16;
	v16 =	vadd.s32 v16, v58;
	v62 =	vsel vm2, $0x0, v59  }
0x99: {  	v14 =	vadd.s32 v14, v22;
	v16 =	vadd.s32 v61, v16;
	v17 =	vadd.s32 v62, v17  }
0x9a: {  	v60 =	vsel vm3, $0x3F800000, v9;
	vm13 =	vlt.s32 v14, v12;
	v63 =	vadd.s32 v17, v16  }
0x9b: {  	vm3 =	vgt.s32 v13, v11;
	vm4 =	vmand vm4, vm13;
	vm14 =	vlt.s32 v63, v12  }
0x9c: {  	[tilespmem:s14+$0x0] =	vst v54;
	vm15 =	vgt.s32 v15, v11;
	vm3 =	vmor vm3, vm4;
	vm5 =	vmand vm5, vm14  }
0x9d: {  	[tilespmem:s15+$0x0] =	vst v60;
	v11 =	vsel vm3, $0x3F800000, v9;
	vm3 =	vmor vm15, vm5  }
0x9e: {  	[tilespmem:s16+$0x0] =	vst v11;
	v11 =	vsel vm3, $0x3F800000, v9  }
.Ltmp8:
0x9f: {  	[tilespmem:s17+$0x0] =	vst v11;
	(pc) =	sbr.rel .LBB2_13-.Ltmp8, $4  }
0xa0: {  	[hbm4b:s5+s9] =	stream.strided.scatter [tilespmem:s2], [sflag:$0x1], $0x2000, s10, s9, $0x38;
	[tilespmem:$0x4080] =	vst v63  }
0xa1: {  	_ =	swait.ge [sflag:s8], $0x2000  }
0xa2: {  	[sflag:s8] =	ssyncset.done $0x0  }
0xa3: {  	[sflag:s8] =	ssyncadd.s32 $0xFFFFE000  }
.LBB2_14:
0xa4: {  	_ =	sfence.sel $0x180000  }
0xa5: {  	[bflag:$0x0] =	sbarrier.arrive $0xFFFF  }
0xa6: {  	p0 =	sne.s32 s1, $0x0;
	_ =	strace $0x90000047  }
0xa7: {  	s0 =	sadd.s32 @!p0 $0x100000, s0;
	[bflag:$0x2] =	sbarrier.arrive $0xFFFF  }
0xa8: {  	[sflag:s0] =	ssyncadd.tile.s32 @!p0 $0x1;
	_ =	shalt  }
.Lfunc_end2:
_tile_overlayer_lowered:
.L_overlay_start_2:
0xa9: {  	(tag) =	ssettag $0x2  }
0xaa: {  	s0 =	rddreg [dreg:$0x0];
	s2 =	stileid.u32  }
0xab: {  	s1 =	rddreg [dreg:$0x1];
	p0 =	sne.s32 s2, $0x0  }
0xac: {  	s3 =	rddreg [dreg:$0x2];
	[bflag:$0x3] =	sbarrier.arrive $0xFFFF;
	s2 =	simm.s32 @!p0 $0x1C01  }
0xad: {  	[timem:s3], [sflag:s2] =	dma.local @!p0 [hbm:s0], s1  }
0xae: {  	s0 =	simm.s32 @!p0 $0x1  }
0xaf: {  	_ =	swait.ge @!p0 [sflag:s0], s1  }
0xb0: {  	s1 =	ssub.s32 @!p0 $0x0, s1;
	[sflag:s0] =	ssyncset.done @!p0 $0x0  }
0xb1: {  	[sflag:s0] =	ssyncadd.s32 @!p0 s1  }
0xb2: {  	[bflag:$0x3] =	sbarrier.arrive $0xFFFF  }
0xb3: {  	_ =	shalt  }

</sc_bundles>
